<compile_context>
chip_gen: v7x
topology: tpu7x:2x2x1
jax: 0.10.2.dev20260603
libtpu: 0.0.44.dev20260713+nightly
codegen_flags: <defaults>
</compile_context>

<pallas_src>
import functools

import jax
import jax.numpy as jnp
from jax import lax
from jax.experimental import pallas as pl
from jax.experimental.pallas import tpu as pltpu
from jax.experimental.pallas import tpu_sc as plsc

D = 128
CH = 128
R = 7


def _gather_body(n_ch, per_w, nc, table_hbm, idx_hbm, out_hbm,
                 idx_v, *scratch):
    bufs = scratch[:R]
    sem_g = scratch[R:2 * R]
    sem_w = scratch[2 * R:3 * R]
    wid = lax.axis_index("s") * nc + lax.axis_index("c")
    base = wid * per_w
    pltpu.sync_copy(idx_hbm.at[wid], idx_v)

    def start_gather(g, b):
        pltpu.async_copy(table_hbm.at[idx_v.at[g]], bufs[b], sem_g[b])

    def wait_gather(b):
        pltpu.make_async_copy(table_hbm.at[idx_v.at[0]], bufs[b],
                              sem_g[b]).wait()

    def start_write(g, b):
        pltpu.async_copy(bufs[b], out_hbm.at[pl.ds(base + g * CH, CH)],
                         sem_w[b])

    def wait_write(b):
        pltpu.make_async_copy(bufs[b], out_hbm.at[pl.ds(base, CH)],
                              sem_w[b]).wait()

    for b in range(R):
        start_gather(b, b)

    n_grp = (n_ch + R - 1) // R

    def group(i, _):
        g0 = R * i
        for b in range(R):
            @pl.when(g0 + b < n_ch)
            def _(b=b):
                wait_gather(b)

        for b in range(R):
            @pl.when(g0 + R + b < n_ch)
            def _(b=b):
                start_gather(g0 + R + b, b)

        return 0

    lax.fori_loop(0, n_grp, group, 0)
    for b in range(R):
        start_write(b, b)
    for b in range(R):
        wait_write(b)


def kernel(table, x):
    B, H = x.shape
    N = B * H
    info = plsc.get_sparse_core_info()
    nc, ns = info.num_cores, info.num_subcores
    nw = nc * ns
    per_w = N // nw
    n_ch = per_w // CH
    idx = x.T.reshape(nw, n_ch, CH).astype(jnp.int32)

    mesh = plsc.VectorSubcoreMesh(core_axis_name="c", subcore_axis_name="s")
    body = functools.partial(_gather_body, n_ch, per_w, nc)
    out = pl.kernel(
        body,
        mesh=mesh,
        out_type=jax.ShapeDtypeStruct((N, D), jnp.float32),
        scratch_types=(
            [pltpu.VMEM((n_ch, CH), jnp.int32)]
            + [pltpu.VMEM((CH, D), jnp.float32) for _ in range(R)]
            + [pltpu.SemaphoreType.DMA for _ in range(2 * R)]
        ),
    )(table, idx)
    return out.reshape(H, B, D).transpose(1, 0, 2)

# --- scband reference (transcript-rebuilt; emitter-appended) ---
"""Pipeline reference for scband-embedder-7516192768393 (READ-ONLY COPY).

The authoritative reference and input builder live on the scoring server;
editing this copy changes nothing except your own understanding.
"""

import jax, jax.numpy as jnp
import numpy as np

VOCAB = 100000
EMBED_DIM = 128
BATCH = 4096
HIST = 50

def setup_inputs(seed: int = 0) -> dict:
    key = jax.random.key(seed)
    k_tab, k_idx = jax.random.split(key)
    table = jax.random.normal(k_tab, (VOCAB, EMBED_DIM), dtype=jnp.float32)
    x = jax.random.randint(k_idx, (BATCH, HIST), 0, VOCAB, dtype=jnp.int64)
    return {"table": table, "x": x}

def reference(table, x):
    # nn.Embedding.from_pretrained lookup: gather rows of the table
    x_vec = jnp.take(table, x, axis=0)
    return x_vec

if __name__ == "__main__":
    import jax
    _d = setup_inputs()
    print(jax.jit(kernel)(*tuple(_d.values())))

</pallas_src>

<mosaic_0001>
#map = affine_map<(d0, d1) -> (0, 0)>
#map1 = affine_map<(d0, d1) -> (0, 0, 0)>
module attributes {stable_mosaic.version = 14 : i64} {
  func.func @_gather_body(%arg0: i32, %arg1: i32, %arg2: memref<100000x128xf32, #tpu.memory_space<hbm>>, %arg3: memref<32x50x128xi32, #tpu.memory_space<hbm>>, %arg4: memref<204800x128xf32, #tpu.memory_space<hbm>>, %arg5: memref<50x128xi32, #tpu.memory_space<vmem>>, %arg6: memref<128x128xf32, #tpu.memory_space<vmem>>, %arg7: memref<128x128xf32, #tpu.memory_space<vmem>>, %arg8: memref<128x128xf32, #tpu.memory_space<vmem>>, %arg9: memref<128x128xf32, #tpu.memory_space<vmem>>, %arg10: memref<128x128xf32, #tpu.memory_space<vmem>>, %arg11: memref<128x128xf32, #tpu.memory_space<vmem>>, %arg12: memref<128x128xf32, #tpu.memory_space<vmem>>, %arg13: memref<!tpu.dma_semaphore, #tpu.memory_space<semaphore_mem>>, %arg14: memref<!tpu.dma_semaphore, #tpu.memory_space<semaphore_mem>>, %arg15: memref<!tpu.dma_semaphore, #tpu.memory_space<semaphore_mem>>, %arg16: memref<!tpu.dma_semaphore, #tpu.memory_space<semaphore_mem>>, %arg17: memref<!tpu.dma_semaphore, #tpu.memory_space<semaphore_mem>>, %arg18: memref<!tpu.dma_semaphore, #tpu.memory_space<semaphore_mem>>, %arg19: memref<!tpu.dma_semaphore, #tpu.memory_space<semaphore_mem>>, %arg20: memref<!tpu.dma_semaphore, #tpu.memory_space<semaphore_mem>>, %arg21: memref<!tpu.dma_semaphore, #tpu.memory_space<semaphore_mem>>, %arg22: memref<!tpu.dma_semaphore, #tpu.memory_space<semaphore_mem>>, %arg23: memref<!tpu.dma_semaphore, #tpu.memory_space<semaphore_mem>>, %arg24: memref<!tpu.dma_semaphore, #tpu.memory_space<semaphore_mem>>, %arg25: memref<!tpu.dma_semaphore, #tpu.memory_space<semaphore_mem>>, %arg26: memref<!tpu.dma_semaphore, #tpu.memory_space<semaphore_mem>>) attributes {dimension_semantics = [#tpu.dimension_semantics<core_parallel>, #tpu.dimension_semantics<subcore_parallel>], iteration_bounds = array<i64: 2, 16>, scalar_prefetch = 0 : i64, scratch_operands = 22 : i64, tpu.core_type = #tpu.core_type<sc_vector_subcore>, window_params = [{transform_indices = #map}, {transform_indices = #map1}, {transform_indices = #map}]} {
    %mul3A = arith.constant 2 : i32
    %mul3A_0 = arith.muli %arg1, %mul3A : i32
    %add3A = arith.addi %mul3A_0, %arg0 : i32
    %mul3A_1 = arith.constant 6400 : i32
    %mul3A_2 = arith.muli %add3A, %mul3A_1 : i32
    "tpu.region"() ({
      %run_scoped3A = tpu.sem_alloc : memref<!tpu.dma_semaphore, #tpu.memory_space<semaphore_mem>>
      %dma_start3A_126 = arith.constant 0 : i32
      %dma_start3A_127 = arith.constant 0 : i32
      %dma_start3A_128 = tpu.memref_slice %arg3[%add3A, %dma_start3A_126, %dma_start3A_127] : memref<32x50x128xi32, #tpu.memory_space<hbm>> -> memref<1x50x128xi32, #tpu.memory_space<hbm>>
      %dma_start3A_129 = tpu.memref_squeeze %dma_start3A_128 : memref<1x50x128xi32, #tpu.memory_space<hbm>> -> memref<50x128xi32, #tpu.memory_space<hbm>>
      %dma_start3A_130 = arith.constant 0 : i32
      %dma_start3A_131 = arith.constant 0 : i32
      %dma_start3A_132 = tpu.memref_slice %arg3[%add3A, %dma_start3A_130, %dma_start3A_131] : memref<32x50x128xi32, #tpu.memory_space<hbm>> -> memref<1x50x128xi32, #tpu.memory_space<hbm>>
      %dma_start3A_133 = tpu.memref_squeeze %dma_start3A_132 : memref<1x50x128xi32, #tpu.memory_space<hbm>> -> memref<50x128xi32, #tpu.memory_space<hbm>>
      tpu.enqueue_dma source(%dma_start3A_133 : memref<50x128xi32, #tpu.memory_space<hbm>>) target(%arg5 : memref<50x128xi32, #tpu.memory_space<vmem>>) target_semaphore(%run_scoped3A : memref<!tpu.dma_semaphore, #tpu.memory_space<semaphore_mem>>)
      %dma_wait3A_134 = arith.constant 0 : i32
      %dma_wait3A_135 = arith.constant 0 : i32
      %dma_wait3A_136 = tpu.memref_slice %arg3[%add3A, %dma_wait3A_134, %dma_wait3A_135] : memref<32x50x128xi32, #tpu.memory_space<hbm>> -> memref<1x50x128xi32, #tpu.memory_space<hbm>>
      %dma_wait3A_137 = tpu.memref_squeeze %dma_wait3A_136 : memref<1x50x128xi32, #tpu.memory_space<hbm>> -> memref<50x128xi32, #tpu.memory_space<hbm>>
      %dma_wait3A_138 = arith.constant 0 : i32
      %dma_wait3A_139 = arith.constant 0 : i32
      %dma_wait3A_140 = tpu.memref_slice %arg3[%add3A, %dma_wait3A_138, %dma_wait3A_139] : memref<32x50x128xi32, #tpu.memory_space<hbm>> -> memref<1x50x128xi32, #tpu.memory_space<hbm>>
      %dma_wait3A_141 = tpu.memref_squeeze %dma_wait3A_140 : memref<1x50x128xi32, #tpu.memory_space<hbm>> -> memref<50x128xi32, #tpu.memory_space<hbm>>
      tpu.wait_dma2 semaphore(%run_scoped3A : memref<!tpu.dma_semaphore, #tpu.memory_space<semaphore_mem>>) src(%dma_wait3A_141 : memref<50x128xi32, #tpu.memory_space<hbm>>) dst(%arg5 : memref<50x128xi32, #tpu.memory_space<vmem>>)
      tpu.yield
    }) : () -> ()
    %dma_start3A = arith.constant 0 : i32
    %dma_start3A_3 = arith.constant 0 : i32
    %dma_start3A_4 = tpu.memref_slice %arg5[%dma_start3A, %dma_start3A_3] : memref<50x128xi32, #tpu.memory_space<vmem>> -> memref<1x128xi32, #tpu.memory_space<vmem>>
    %dma_start3A_5 = tpu.memref_squeeze %dma_start3A_4 : memref<1x128xi32, #tpu.memory_space<vmem>> -> memref<128xi32, #tpu.memory_space<vmem>>
    %dma_start3A_6 = arith.constant 0 : i32
    %dma_start3A_7 = arith.constant 0 : i32
    %dma_start3A_8 = tpu.memref_slice %arg2[%dma_start3A_6, %dma_start3A_7] : memref<100000x128xf32, #tpu.memory_space<hbm>> -> memref<100000x128xf32, #tpu.memory_space<hbm>>
    tpu.enqueue_indirect_dma source(%dma_start3A_8 : memref<100000x128xf32, #tpu.memory_space<hbm>>) target(%arg6 : memref<128x128xf32, #tpu.memory_space<vmem>>) offsets(%dma_start3A_5 : memref<128xi32, #tpu.memory_space<vmem>>) semaphore(%arg13 : memref<!tpu.dma_semaphore, #tpu.memory_space<semaphore_mem>>)
    %dma_start3A_9 = arith.constant 1 : i32
    %dma_start3A_10 = arith.constant 0 : i32
    %dma_start3A_11 = tpu.memref_slice %arg5[%dma_start3A_9, %dma_start3A_10] : memref<50x128xi32, #tpu.memory_space<vmem>> -> memref<1x128xi32, #tpu.memory_space<vmem>>
    %dma_start3A_12 = tpu.memref_squeeze %dma_start3A_11 : memref<1x128xi32, #tpu.memory_space<vmem>> -> memref<128xi32, #tpu.memory_space<vmem>>
    %dma_start3A_13 = arith.constant 0 : i32
    %dma_start3A_14 = arith.constant 0 : i32
    %dma_start3A_15 = tpu.memref_slice %arg2[%dma_start3A_13, %dma_start3A_14] : memref<100000x128xf32, #tpu.memory_space<hbm>> -> memref<100000x128xf32, #tpu.memory_space<hbm>>
    tpu.enqueue_indirect_dma source(%dma_start3A_15 : memref<100000x128xf32, #tpu.memory_space<hbm>>) target(%arg7 : memref<128x128xf32, #tpu.memory_space<vmem>>) offsets(%dma_start3A_12 : memref<128xi32, #tpu.memory_space<vmem>>) semaphore(%arg14 : memref<!tpu.dma_semaphore, #tpu.memory_space<semaphore_mem>>)
    %dma_start3A_16 = arith.constant 2 : i32
    %dma_start3A_17 = arith.constant 0 : i32
    %dma_start3A_18 = tpu.memref_slice %arg5[%dma_start3A_16, %dma_start3A_17] : memref<50x128xi32, #tpu.memory_space<vmem>> -> memref<1x128xi32, #tpu.memory_space<vmem>>
    %dma_start3A_19 = tpu.memref_squeeze %dma_start3A_18 : memref<1x128xi32, #tpu.memory_space<vmem>> -> memref<128xi32, #tpu.memory_space<vmem>>
    %dma_start3A_20 = arith.constant 0 : i32
    %dma_start3A_21 = arith.constant 0 : i32
    %dma_start3A_22 = tpu.memref_slice %arg2[%dma_start3A_20, %dma_start3A_21] : memref<100000x128xf32, #tpu.memory_space<hbm>> -> memref<100000x128xf32, #tpu.memory_space<hbm>>
    tpu.enqueue_indirect_dma source(%dma_start3A_22 : memref<100000x128xf32, #tpu.memory_space<hbm>>) target(%arg8 : memref<128x128xf32, #tpu.memory_space<vmem>>) offsets(%dma_start3A_19 : memref<128xi32, #tpu.memory_space<vmem>>) semaphore(%arg15 : memref<!tpu.dma_semaphore, #tpu.memory_space<semaphore_mem>>)
    %dma_start3A_23 = arith.constant 3 : i32
    %dma_start3A_24 = arith.constant 0 : i32
    %dma_start3A_25 = tpu.memref_slice %arg5[%dma_start3A_23, %dma_start3A_24] : memref<50x128xi32, #tpu.memory_space<vmem>> -> memref<1x128xi32, #tpu.memory_space<vmem>>
    %dma_start3A_26 = tpu.memref_squeeze %dma_start3A_25 : memref<1x128xi32, #tpu.memory_space<vmem>> -> memref<128xi32, #tpu.memory_space<vmem>>
    %dma_start3A_27 = arith.constant 0 : i32
    %dma_start3A_28 = arith.constant 0 : i32
    %dma_start3A_29 = tpu.memref_slice %arg2[%dma_start3A_27, %dma_start3A_28] : memref<100000x128xf32, #tpu.memory_space<hbm>> -> memref<100000x128xf32, #tpu.memory_space<hbm>>
    tpu.enqueue_indirect_dma source(%dma_start3A_29 : memref<100000x128xf32, #tpu.memory_space<hbm>>) target(%arg9 : memref<128x128xf32, #tpu.memory_space<vmem>>) offsets(%dma_start3A_26 : memref<128xi32, #tpu.memory_space<vmem>>) semaphore(%arg16 : memref<!tpu.dma_semaphore, #tpu.memory_space<semaphore_mem>>)
    %dma_start3A_30 = arith.constant 4 : i32
    %dma_start3A_31 = arith.constant 0 : i32
    %dma_start3A_32 = tpu.memref_slice %arg5[%dma_start3A_30, %dma_start3A_31] : memref<50x128xi32, #tpu.memory_space<vmem>> -> memref<1x128xi32, #tpu.memory_space<vmem>>
    %dma_start3A_33 = tpu.memref_squeeze %dma_start3A_32 : memref<1x128xi32, #tpu.memory_space<vmem>> -> memref<128xi32, #tpu.memory_space<vmem>>
    %dma_start3A_34 = arith.constant 0 : i32
    %dma_start3A_35 = arith.constant 0 : i32
    %dma_start3A_36 = tpu.memref_slice %arg2[%dma_start3A_34, %dma_start3A_35] : memref<100000x128xf32, #tpu.memory_space<hbm>> -> memref<100000x128xf32, #tpu.memory_space<hbm>>
    tpu.enqueue_indirect_dma source(%dma_start3A_36 : memref<100000x128xf32, #tpu.memory_space<hbm>>) target(%arg10 : memref<128x128xf32, #tpu.memory_space<vmem>>) offsets(%dma_start3A_33 : memref<128xi32, #tpu.memory_space<vmem>>) semaphore(%arg17 : memref<!tpu.dma_semaphore, #tpu.memory_space<semaphore_mem>>)
    %dma_start3A_37 = arith.constant 5 : i32
    %dma_start3A_38 = arith.constant 0 : i32
    %dma_start3A_39 = tpu.memref_slice %arg5[%dma_start3A_37, %dma_start3A_38] : memref<50x128xi32, #tpu.memory_space<vmem>> -> memref<1x128xi32, #tpu.memory_space<vmem>>
    %dma_start3A_40 = tpu.memref_squeeze %dma_start3A_39 : memref<1x128xi32, #tpu.memory_space<vmem>> -> memref<128xi32, #tpu.memory_space<vmem>>
    %dma_start3A_41 = arith.constant 0 : i32
    %dma_start3A_42 = arith.constant 0 : i32
    %dma_start3A_43 = tpu.memref_slice %arg2[%dma_start3A_41, %dma_start3A_42] : memref<100000x128xf32, #tpu.memory_space<hbm>> -> memref<100000x128xf32, #tpu.memory_space<hbm>>
    tpu.enqueue_indirect_dma source(%dma_start3A_43 : memref<100000x128xf32, #tpu.memory_space<hbm>>) target(%arg11 : memref<128x128xf32, #tpu.memory_space<vmem>>) offsets(%dma_start3A_40 : memref<128xi32, #tpu.memory_space<vmem>>) semaphore(%arg18 : memref<!tpu.dma_semaphore, #tpu.memory_space<semaphore_mem>>)
    %dma_start3A_44 = arith.constant 6 : i32
    %dma_start3A_45 = arith.constant 0 : i32
    %dma_start3A_46 = tpu.memref_slice %arg5[%dma_start3A_44, %dma_start3A_45] : memref<50x128xi32, #tpu.memory_space<vmem>> -> memref<1x128xi32, #tpu.memory_space<vmem>>
    %dma_start3A_47 = tpu.memref_squeeze %dma_start3A_46 : memref<1x128xi32, #tpu.memory_space<vmem>> -> memref<128xi32, #tpu.memory_space<vmem>>
    %dma_start3A_48 = arith.constant 0 : i32
    %dma_start3A_49 = arith.constant 0 : i32
    %dma_start3A_50 = tpu.memref_slice %arg2[%dma_start3A_48, %dma_start3A_49] : memref<100000x128xf32, #tpu.memory_space<hbm>> -> memref<100000x128xf32, #tpu.memory_space<hbm>>
    tpu.enqueue_indirect_dma source(%dma_start3A_50 : memref<100000x128xf32, #tpu.memory_space<hbm>>) target(%arg12 : memref<128x128xf32, #tpu.memory_space<vmem>>) offsets(%dma_start3A_47 : memref<128xi32, #tpu.memory_space<vmem>>) semaphore(%arg19 : memref<!tpu.dma_semaphore, #tpu.memory_space<semaphore_mem>>)
    %scan3A = arith.constant 0 : i32
    %scan3A_51 = arith.constant 0 : i32
    %scan3A_52 = arith.constant 8 : i32
    %scan3A_53 = arith.addi %scan3A_51, %scan3A_52 : i32
    %scan3A_54 = arith.constant 1 : i32
    %scan3A_55 = scf.for %scan3A_126 = %scan3A_51 to %scan3A_53 step %scan3A_54 iter_args(%scan3A_127 = %scan3A) -> (i32)  : i32 {
      %mul3A_128 = arith.constant 7 : i32
      %mul3A_129 = arith.muli %mul3A_128, %scan3A_126 : i32
      %add3A_130 = arith.constant 0 : i32
      %add3A_131 = arith.addi %mul3A_129, %add3A_130 : i32
      %lt3A = arith.constant 50 : i32
      %lt3A_132 = arith.cmpi slt, %add3A_131, %lt3A : i32
      %convert_element_type3A = arith.extui %lt3A_132 : i1 to i32
      %cond3A = arith.constant 0 : i32
      %cond3A_133 = arith.cmpi ne, %convert_element_type3A, %cond3A : i32
      scf.if %cond3A_133 {
        %dma_wait3A_240 = arith.constant 0 : i32
        %dma_wait3A_241 = arith.constant 0 : i32
        %dma_wait3A_242 = tpu.memref_slice %arg5[%dma_wait3A_240, %dma_wait3A_241] : memref<50x128xi32, #tpu.memory_space<vmem>> -> memref<1x128xi32, #tpu.memory_space<vmem>>
        %dma_wait3A_243 = tpu.memref_squeeze %dma_wait3A_242 : memref<1x128xi32, #tpu.memory_space<vmem>> -> memref<128xi32, #tpu.memory_space<vmem>>
        %dma_wait3A_244 = arith.constant 0 : i32
        %dma_wait3A_245 = arith.constant 0 : i32
        %dma_wait3A_246 = tpu.memref_slice %arg2[%dma_wait3A_244, %dma_wait3A_245] : memref<100000x128xf32, #tpu.memory_space<hbm>> -> memref<100000x128xf32, #tpu.memory_space<hbm>>
        tpu.wait_indirect_dma semaphore(%arg13 : memref<!tpu.dma_semaphore, #tpu.memory_space<semaphore_mem>>) src(%dma_wait3A_246 : memref<100000x128xf32, #tpu.memory_space<hbm>>) dst(%arg6 : memref<128x128xf32, #tpu.memory_space<vmem>>)
      } else {
      }
      %add3A_134 = arith.constant 1 : i32
      %add3A_135 = arith.addi %mul3A_129, %add3A_134 : i32
      %lt3A_136 = arith.constant 50 : i32
      %lt3A_137 = arith.cmpi slt, %add3A_135, %lt3A_136 : i32
      %convert_element_type3A_138 = arith.extui %lt3A_137 : i1 to i32
      %cond3A_139 = arith.constant 0 : i32
      %cond3A_140 = arith.cmpi ne, %convert_element_type3A_138, %cond3A_139 : i32
      scf.if %cond3A_140 {
        %dma_wait3A_240 = arith.constant 0 : i32
        %dma_wait3A_241 = arith.constant 0 : i32
        %dma_wait3A_242 = tpu.memref_slice %arg5[%dma_wait3A_240, %dma_wait3A_241] : memref<50x128xi32, #tpu.memory_space<vmem>> -> memref<1x128xi32, #tpu.memory_space<vmem>>
        %dma_wait3A_243 = tpu.memref_squeeze %dma_wait3A_242 : memref<1x128xi32, #tpu.memory_space<vmem>> -> memref<128xi32, #tpu.memory_space<vmem>>
        %dma_wait3A_244 = arith.constant 0 : i32
        %dma_wait3A_245 = arith.constant 0 : i32
        %dma_wait3A_246 = tpu.memref_slice %arg2[%dma_wait3A_244, %dma_wait3A_245] : memref<100000x128xf32, #tpu.memory_space<hbm>> -> memref<100000x128xf32, #tpu.memory_space<hbm>>
        tpu.wait_indirect_dma semaphore(%arg14 : memref<!tpu.dma_semaphore, #tpu.memory_space<semaphore_mem>>) src(%dma_wait3A_246 : memref<100000x128xf32, #tpu.memory_space<hbm>>) dst(%arg7 : memref<128x128xf32, #tpu.memory_space<vmem>>)
      } else {
      }
      %add3A_141 = arith.constant 2 : i32
      %add3A_142 = arith.addi %mul3A_129, %add3A_141 : i32
      %lt3A_143 = arith.constant 50 : i32
      %lt3A_144 = arith.cmpi slt, %add3A_142, %lt3A_143 : i32
      %convert_element_type3A_145 = arith.extui %lt3A_144 : i1 to i32
      %cond3A_146 = arith.constant 0 : i32
      %cond3A_147 = arith.cmpi ne, %convert_element_type3A_145, %cond3A_146 : i32
      scf.if %cond3A_147 {
        %dma_wait3A_240 = arith.constant 0 : i32
        %dma_wait3A_241 = arith.constant 0 : i32
        %dma_wait3A_242 = tpu.memref_slice %arg5[%dma_wait3A_240, %dma_wait3A_241] : memref<50x128xi32, #tpu.memory_space<vmem>> -> memref<1x128xi32, #tpu.memory_space<vmem>>
        %dma_wait3A_243 = tpu.memref_squeeze %dma_wait3A_242 : memref<1x128xi32, #tpu.memory_space<vmem>> -> memref<128xi32, #tpu.memory_space<vmem>>
        %dma_wait3A_244 = arith.constant 0 : i32
        %dma_wait3A_245 = arith.constant 0 : i32
        %dma_wait3A_246 = tpu.memref_slice %arg2[%dma_wait3A_244, %dma_wait3A_245] : memref<100000x128xf32, #tpu.memory_space<hbm>> -> memref<100000x128xf32, #tpu.memory_space<hbm>>
        tpu.wait_indirect_dma semaphore(%arg15 : memref<!tpu.dma_semaphore, #tpu.memory_space<semaphore_mem>>) src(%dma_wait3A_246 : memref<100000x128xf32, #tpu.memory_space<hbm>>) dst(%arg8 : memref<128x128xf32, #tpu.memory_space<vmem>>)
      } else {
      }
      %add3A_148 = arith.constant 3 : i32
      %add3A_149 = arith.addi %mul3A_129, %add3A_148 : i32
      %lt3A_150 = arith.constant 50 : i32
      %lt3A_151 = arith.cmpi slt, %add3A_149, %lt3A_150 : i32
      %convert_element_type3A_152 = arith.extui %lt3A_151 : i1 to i32
      %cond3A_153 = arith.constant 0 : i32
      %cond3A_154 = arith.cmpi ne, %convert_element_type3A_152, %cond3A_153 : i32
      scf.if %cond3A_154 {
        %dma_wait3A_240 = arith.constant 0 : i32
        %dma_wait3A_241 = arith.constant 0 : i32
        %dma_wait3A_242 = tpu.memref_slice %arg5[%dma_wait3A_240, %dma_wait3A_241] : memref<50x128xi32, #tpu.memory_space<vmem>> -> memref<1x128xi32, #tpu.memory_space<vmem>>
        %dma_wait3A_243 = tpu.memref_squeeze %dma_wait3A_242 : memref<1x128xi32, #tpu.memory_space<vmem>> -> memref<128xi32, #tpu.memory_space<vmem>>
        %dma_wait3A_244 = arith.constant 0 : i32
        %dma_wait3A_245 = arith.constant 0 : i32
        %dma_wait3A_246 = tpu.memref_slice %arg2[%dma_wait3A_244, %dma_wait3A_245] : memref<100000x128xf32, #tpu.memory_space<hbm>> -> memref<100000x128xf32, #tpu.memory_space<hbm>>
        tpu.wait_indirect_dma semaphore(%arg16 : memref<!tpu.dma_semaphore, #tpu.memory_space<semaphore_mem>>) src(%dma_wait3A_246 : memref<100000x128xf32, #tpu.memory_space<hbm>>) dst(%arg9 : memref<128x128xf32, #tpu.memory_space<vmem>>)
      } else {
      }
      %add3A_155 = arith.constant 4 : i32
      %add3A_156 = arith.addi %mul3A_129, %add3A_155 : i32
      %lt3A_157 = arith.constant 50 : i32
      %lt3A_158 = arith.cmpi slt, %add3A_156, %lt3A_157 : i32
      %convert_element_type3A_159 = arith.extui %lt3A_158 : i1 to i32
      %cond3A_160 = arith.constant 0 : i32
      %cond3A_161 = arith.cmpi ne, %convert_element_type3A_159, %cond3A_160 : i32
      scf.if %cond3A_161 {
        %dma_wait3A_240 = arith.constant 0 : i32
        %dma_wait3A_241 = arith.constant 0 : i32
        %dma_wait3A_242 = tpu.memref_slice %arg5[%dma_wait3A_240, %dma_wait3A_241] : memref<50x128xi32, #tpu.memory_space<vmem>> -> memref<1x128xi32, #tpu.memory_space<vmem>>
        %dma_wait3A_243 = tpu.memref_squeeze %dma_wait3A_242 : memref<1x128xi32, #tpu.memory_space<vmem>> -> memref<128xi32, #tpu.memory_space<vmem>>
        %dma_wait3A_244 = arith.constant 0 : i32
        %dma_wait3A_245 = arith.constant 0 : i32
        %dma_wait3A_246 = tpu.memref_slice %arg2[%dma_wait3A_244, %dma_wait3A_245] : memref<100000x128xf32, #tpu.memory_space<hbm>> -> memref<100000x128xf32, #tpu.memory_space<hbm>>
        tpu.wait_indirect_dma semaphore(%arg17 : memref<!tpu.dma_semaphore, #tpu.memory_space<semaphore_mem>>) src(%dma_wait3A_246 : memref<100000x128xf32, #tpu.memory_space<hbm>>) dst(%arg10 : memref<128x128xf32, #tpu.memory_space<vmem>>)
      } else {
      }
      %add3A_162 = arith.constant 5 : i32
      %add3A_163 = arith.addi %mul3A_129, %add3A_162 : i32
      %lt3A_164 = arith.constant 50 : i32
      %lt3A_165 = arith.cmpi slt, %add3A_163, %lt3A_164 : i32
      %convert_element_type3A_166 = arith.extui %lt3A_165 : i1 to i32
      %cond3A_167 = arith.constant 0 : i32
      %cond3A_168 = arith.cmpi ne, %convert_element_type3A_166, %cond3A_167 : i32
      scf.if %cond3A_168 {
        %dma_wait3A_240 = arith.constant 0 : i32
        %dma_wait3A_241 = arith.constant 0 : i32
        %dma_wait3A_242 = tpu.memref_slice %arg5[%dma_wait3A_240, %dma_wait3A_241] : memref<50x128xi32, #tpu.memory_space<vmem>> -> memref<1x128xi32, #tpu.memory_space<vmem>>
        %dma_wait3A_243 = tpu.memref_squeeze %dma_wait3A_242 : memref<1x128xi32, #tpu.memory_space<vmem>> -> memref<128xi32, #tpu.memory_space<vmem>>
        %dma_wait3A_244 = arith.constant 0 : i32
        %dma_wait3A_245 = arith.constant 0 : i32
        %dma_wait3A_246 = tpu.memref_slice %arg2[%dma_wait3A_244, %dma_wait3A_245] : memref<100000x128xf32, #tpu.memory_space<hbm>> -> memref<100000x128xf32, #tpu.memory_space<hbm>>
        tpu.wait_indirect_dma semaphore(%arg18 : memref<!tpu.dma_semaphore, #tpu.memory_space<semaphore_mem>>) src(%dma_wait3A_246 : memref<100000x128xf32, #tpu.memory_space<hbm>>) dst(%arg11 : memref<128x128xf32, #tpu.memory_space<vmem>>)
      } else {
      }
      %add3A_169 = arith.constant 6 : i32
      %add3A_170 = arith.addi %mul3A_129, %add3A_169 : i32
      %lt3A_171 = arith.constant 50 : i32
      %lt3A_172 = arith.cmpi slt, %add3A_170, %lt3A_171 : i32
      %convert_element_type3A_173 = arith.extui %lt3A_172 : i1 to i32
      %cond3A_174 = arith.constant 0 : i32
      %cond3A_175 = arith.cmpi ne, %convert_element_type3A_173, %cond3A_174 : i32
      scf.if %cond3A_175 {
        %dma_wait3A_240 = arith.constant 0 : i32
        %dma_wait3A_241 = arith.constant 0 : i32
        %dma_wait3A_242 = tpu.memref_slice %arg5[%dma_wait3A_240, %dma_wait3A_241] : memref<50x128xi32, #tpu.memory_space<vmem>> -> memref<1x128xi32, #tpu.memory_space<vmem>>
        %dma_wait3A_243 = tpu.memref_squeeze %dma_wait3A_242 : memref<1x128xi32, #tpu.memory_space<vmem>> -> memref<128xi32, #tpu.memory_space<vmem>>
        %dma_wait3A_244 = arith.constant 0 : i32
        %dma_wait3A_245 = arith.constant 0 : i32
        %dma_wait3A_246 = tpu.memref_slice %arg2[%dma_wait3A_244, %dma_wait3A_245] : memref<100000x128xf32, #tpu.memory_space<hbm>> -> memref<100000x128xf32, #tpu.memory_space<hbm>>
        tpu.wait_indirect_dma semaphore(%arg19 : memref<!tpu.dma_semaphore, #tpu.memory_space<semaphore_mem>>) src(%dma_wait3A_246 : memref<100000x128xf32, #tpu.memory_space<hbm>>) dst(%arg12 : memref<128x128xf32, #tpu.memory_space<vmem>>)
      } else {
      }
      %add3A_176 = arith.constant 7 : i32
      %add3A_177 = arith.addi %mul3A_129, %add3A_176 : i32
      %add3A_178 = arith.constant 0 : i32
      %add3A_179 = arith.addi %add3A_177, %add3A_178 : i32
      %lt3A_180 = arith.constant 50 : i32
      %lt3A_181 = arith.cmpi slt, %add3A_179, %lt3A_180 : i32
      %convert_element_type3A_182 = arith.extui %lt3A_181 : i1 to i32
      %cond3A_183 = arith.constant 0 : i32
      %cond3A_184 = arith.cmpi ne, %convert_element_type3A_182, %cond3A_183 : i32
      scf.if %cond3A_184 {
        %add3A_240 = arith.constant 7 : i32
        %add3A_241 = arith.addi %mul3A_129, %add3A_240 : i32
        %add3A_242 = arith.constant 0 : i32
        %add3A_243 = arith.addi %add3A_241, %add3A_242 : i32
        %dma_start3A_244 = arith.constant 0 : i32
        %dma_start3A_245 = tpu.memref_slice %arg5[%add3A_243, %dma_start3A_244] : memref<50x128xi32, #tpu.memory_space<vmem>> -> memref<1x128xi32, #tpu.memory_space<vmem>>
        %dma_start3A_246 = tpu.memref_squeeze %dma_start3A_245 : memref<1x128xi32, #tpu.memory_space<vmem>> -> memref<128xi32, #tpu.memory_space<vmem>>
        %dma_start3A_247 = arith.constant 0 : i32
        %dma_start3A_248 = arith.constant 0 : i32
        %dma_start3A_249 = tpu.memref_slice %arg2[%dma_start3A_247, %dma_start3A_248] : memref<100000x128xf32, #tpu.memory_space<hbm>> -> memref<100000x128xf32, #tpu.memory_space<hbm>>
        tpu.enqueue_indirect_dma source(%dma_start3A_249 : memref<100000x128xf32, #tpu.memory_space<hbm>>) target(%arg6 : memref<128x128xf32, #tpu.memory_space<vmem>>) offsets(%dma_start3A_246 : memref<128xi32, #tpu.memory_space<vmem>>) semaphore(%arg13 : memref<!tpu.dma_semaphore, #tpu.memory_space<semaphore_mem>>)
      } else {
      }
      %add3A_185 = arith.constant 7 : i32
      %add3A_186 = arith.addi %mul3A_129, %add3A_185 : i32
      %add3A_187 = arith.constant 1 : i32
      %add3A_188 = arith.addi %add3A_186, %add3A_187 : i32
      %lt3A_189 = arith.constant 50 : i32
      %lt3A_190 = arith.cmpi slt, %add3A_188, %lt3A_189 : i32
      %convert_element_type3A_191 = arith.extui %lt3A_190 : i1 to i32
      %cond3A_192 = arith.constant 0 : i32
      %cond3A_193 = arith.cmpi ne, %convert_element_type3A_191, %cond3A_192 : i32
      scf.if %cond3A_193 {
        %add3A_240 = arith.constant 7 : i32
        %add3A_241 = arith.addi %mul3A_129, %add3A_240 : i32
        %add3A_242 = arith.constant 1 : i32
        %add3A_243 = arith.addi %add3A_241, %add3A_242 : i32
        %dma_start3A_244 = arith.constant 0 : i32
        %dma_start3A_245 = tpu.memref_slice %arg5[%add3A_243, %dma_start3A_244] : memref<50x128xi32, #tpu.memory_space<vmem>> -> memref<1x128xi32, #tpu.memory_space<vmem>>
        %dma_start3A_246 = tpu.memref_squeeze %dma_start3A_245 : memref<1x128xi32, #tpu.memory_space<vmem>> -> memref<128xi32, #tpu.memory_space<vmem>>
        %dma_start3A_247 = arith.constant 0 : i32
        %dma_start3A_248 = arith.constant 0 : i32
        %dma_start3A_249 = tpu.memref_slice %arg2[%dma_start3A_247, %dma_start3A_248] : memref<100000x128xf32, #tpu.memory_space<hbm>> -> memref<100000x128xf32, #tpu.memory_space<hbm>>
        tpu.enqueue_indirect_dma source(%dma_start3A_249 : memref<100000x128xf32, #tpu.memory_space<hbm>>) target(%arg7 : memref<128x128xf32, #tpu.memory_space<vmem>>) offsets(%dma_start3A_246 : memref<128xi32, #tpu.memory_space<vmem>>) semaphore(%arg14 : memref<!tpu.dma_semaphore, #tpu.memory_space<semaphore_mem>>)
      } else {
      }
      %add3A_194 = arith.constant 7 : i32
      %add3A_195 = arith.addi %mul3A_129, %add3A_194 : i32
      %add3A_196 = arith.constant 2 : i32
      %add3A_197 = arith.addi %add3A_195, %add3A_196 : i32
      %lt3A_198 = arith.constant 50 : i32
      %lt3A_199 = arith.cmpi slt, %add3A_197, %lt3A_198 : i32
      %convert_element_type3A_200 = arith.extui %lt3A_199 : i1 to i32
      %cond3A_201 = arith.constant 0 : i32
      %cond3A_202 = arith.cmpi ne, %convert_element_type3A_200, %cond3A_201 : i32
      scf.if %cond3A_202 {
        %add3A_240 = arith.constant 7 : i32
        %add3A_241 = arith.addi %mul3A_129, %add3A_240 : i32
        %add3A_242 = arith.constant 2 : i32
        %add3A_243 = arith.addi %add3A_241, %add3A_242 : i32
        %dma_start3A_244 = arith.constant 0 : i32
        %dma_start3A_245 = tpu.memref_slice %arg5[%add3A_243, %dma_start3A_244] : memref<50x128xi32, #tpu.memory_space<vmem>> -> memref<1x128xi32, #tpu.memory_space<vmem>>
        %dma_start3A_246 = tpu.memref_squeeze %dma_start3A_245 : memref<1x128xi32, #tpu.memory_space<vmem>> -> memref<128xi32, #tpu.memory_space<vmem>>
        %dma_start3A_247 = arith.constant 0 : i32
        %dma_start3A_248 = arith.constant 0 : i32
        %dma_start3A_249 = tpu.memref_slice %arg2[%dma_start3A_247, %dma_start3A_248] : memref<100000x128xf32, #tpu.memory_space<hbm>> -> memref<100000x128xf32, #tpu.memory_space<hbm>>
        tpu.enqueue_indirect_dma source(%dma_start3A_249 : memref<100000x128xf32, #tpu.memory_space<hbm>>) target(%arg8 : memref<128x128xf32, #tpu.memory_space<vmem>>) offsets(%dma_start3A_246 : memref<128xi32, #tpu.memory_space<vmem>>) semaphore(%arg15 : memref<!tpu.dma_semaphore, #tpu.memory_space<semaphore_mem>>)
      } else {
      }
      %add3A_203 = arith.constant 7 : i32
      %add3A_204 = arith.addi %mul3A_129, %add3A_203 : i32
      %add3A_205 = arith.constant 3 : i32
      %add3A_206 = arith.addi %add3A_204, %add3A_205 : i32
      %lt3A_207 = arith.constant 50 : i32
      %lt3A_208 = arith.cmpi slt, %add3A_206, %lt3A_207 : i32
      %convert_element_type3A_209 = arith.extui %lt3A_208 : i1 to i32
      %cond3A_210 = arith.constant 0 : i32
      %cond3A_211 = arith.cmpi ne, %convert_element_type3A_209, %cond3A_210 : i32
      scf.if %cond3A_211 {
        %add3A_240 = arith.constant 7 : i32
        %add3A_241 = arith.addi %mul3A_129, %add3A_240 : i32
        %add3A_242 = arith.constant 3 : i32
        %add3A_243 = arith.addi %add3A_241, %add3A_242 : i32
        %dma_start3A_244 = arith.constant 0 : i32
        %dma_start3A_245 = tpu.memref_slice %arg5[%add3A_243, %dma_start3A_244] : memref<50x128xi32, #tpu.memory_space<vmem>> -> memref<1x128xi32, #tpu.memory_space<vmem>>
        %dma_start3A_246 = tpu.memref_squeeze %dma_start3A_245 : memref<1x128xi32, #tpu.memory_space<vmem>> -> memref<128xi32, #tpu.memory_space<vmem>>
        %dma_start3A_247 = arith.constant 0 : i32
        %dma_start3A_248 = arith.constant 0 : i32
        %dma_start3A_249 = tpu.memref_slice %arg2[%dma_start3A_247, %dma_start3A_248] : memref<100000x128xf32, #tpu.memory_space<hbm>> -> memref<100000x128xf32, #tpu.memory_space<hbm>>
        tpu.enqueue_indirect_dma source(%dma_start3A_249 : memref<100000x128xf32, #tpu.memory_space<hbm>>) target(%arg9 : memref<128x128xf32, #tpu.memory_space<vmem>>) offsets(%dma_start3A_246 : memref<128xi32, #tpu.memory_space<vmem>>) semaphore(%arg16 : memref<!tpu.dma_semaphore, #tpu.memory_space<semaphore_mem>>)
      } else {
      }
      %add3A_212 = arith.constant 7 : i32
      %add3A_213 = arith.addi %mul3A_129, %add3A_212 : i32
      %add3A_214 = arith.constant 4 : i32
      %add3A_215 = arith.addi %add3A_213, %add3A_214 : i32
      %lt3A_216 = arith.constant 50 : i32
      %lt3A_217 = arith.cmpi slt, %add3A_215, %lt3A_216 : i32
      %convert_element_type3A_218 = arith.extui %lt3A_217 : i1 to i32
      %cond3A_219 = arith.constant 0 : i32
      %cond3A_220 = arith.cmpi ne, %convert_element_type3A_218, %cond3A_219 : i32
      scf.if %cond3A_220 {
        %add3A_240 = arith.constant 7 : i32
        %add3A_241 = arith.addi %mul3A_129, %add3A_240 : i32
        %add3A_242 = arith.constant 4 : i32
        %add3A_243 = arith.addi %add3A_241, %add3A_242 : i32
        %dma_start3A_244 = arith.constant 0 : i32
        %dma_start3A_245 = tpu.memref_slice %arg5[%add3A_243, %dma_start3A_244] : memref<50x128xi32, #tpu.memory_space<vmem>> -> memref<1x128xi32, #tpu.memory_space<vmem>>
        %dma_start3A_246 = tpu.memref_squeeze %dma_start3A_245 : memref<1x128xi32, #tpu.memory_space<vmem>> -> memref<128xi32, #tpu.memory_space<vmem>>
        %dma_start3A_247 = arith.constant 0 : i32
        %dma_start3A_248 = arith.constant 0 : i32
        %dma_start3A_249 = tpu.memref_slice %arg2[%dma_start3A_247, %dma_start3A_248] : memref<100000x128xf32, #tpu.memory_space<hbm>> -> memref<100000x128xf32, #tpu.memory_space<hbm>>
        tpu.enqueue_indirect_dma source(%dma_start3A_249 : memref<100000x128xf32, #tpu.memory_space<hbm>>) target(%arg10 : memref<128x128xf32, #tpu.memory_space<vmem>>) offsets(%dma_start3A_246 : memref<128xi32, #tpu.memory_space<vmem>>) semaphore(%arg17 : memref<!tpu.dma_semaphore, #tpu.memory_space<semaphore_mem>>)
      } else {
      }
      %add3A_221 = arith.constant 7 : i32
      %add3A_222 = arith.addi %mul3A_129, %add3A_221 : i32
      %add3A_223 = arith.constant 5 : i32
      %add3A_224 = arith.addi %add3A_222, %add3A_223 : i32
      %lt3A_225 = arith.constant 50 : i32
      %lt3A_226 = arith.cmpi slt, %add3A_224, %lt3A_225 : i32
      %convert_element_type3A_227 = arith.extui %lt3A_226 : i1 to i32
      %cond3A_228 = arith.constant 0 : i32
      %cond3A_229 = arith.cmpi ne, %convert_element_type3A_227, %cond3A_228 : i32
      scf.if %cond3A_229 {
        %add3A_240 = arith.constant 7 : i32
        %add3A_241 = arith.addi %mul3A_129, %add3A_240 : i32
        %add3A_242 = arith.constant 5 : i32
        %add3A_243 = arith.addi %add3A_241, %add3A_242 : i32
        %dma_start3A_244 = arith.constant 0 : i32
        %dma_start3A_245 = tpu.memref_slice %arg5[%add3A_243, %dma_start3A_244] : memref<50x128xi32, #tpu.memory_space<vmem>> -> memref<1x128xi32, #tpu.memory_space<vmem>>
        %dma_start3A_246 = tpu.memref_squeeze %dma_start3A_245 : memref<1x128xi32, #tpu.memory_space<vmem>> -> memref<128xi32, #tpu.memory_space<vmem>>
        %dma_start3A_247 = arith.constant 0 : i32
        %dma_start3A_248 = arith.constant 0 : i32
        %dma_start3A_249 = tpu.memref_slice %arg2[%dma_start3A_247, %dma_start3A_248] : memref<100000x128xf32, #tpu.memory_space<hbm>> -> memref<100000x128xf32, #tpu.memory_space<hbm>>
        tpu.enqueue_indirect_dma source(%dma_start3A_249 : memref<100000x128xf32, #tpu.memory_space<hbm>>) target(%arg11 : memref<128x128xf32, #tpu.memory_space<vmem>>) offsets(%dma_start3A_246 : memref<128xi32, #tpu.memory_space<vmem>>) semaphore(%arg18 : memref<!tpu.dma_semaphore, #tpu.memory_space<semaphore_mem>>)
      } else {
      }
      %add3A_230 = arith.constant 7 : i32
      %add3A_231 = arith.addi %mul3A_129, %add3A_230 : i32
      %add3A_232 = arith.constant 6 : i32
      %add3A_233 = arith.addi %add3A_231, %add3A_232 : i32
      %lt3A_234 = arith.constant 50 : i32
      %lt3A_235 = arith.cmpi slt, %add3A_233, %lt3A_234 : i32
      %convert_element_type3A_236 = arith.extui %lt3A_235 : i1 to i32
      %cond3A_237 = arith.constant 0 : i32
      %cond3A_238 = arith.cmpi ne, %convert_element_type3A_236, %cond3A_237 : i32
      scf.if %cond3A_238 {
        %add3A_240 = arith.constant 7 : i32
        %add3A_241 = arith.addi %mul3A_129, %add3A_240 : i32
        %add3A_242 = arith.constant 6 : i32
        %add3A_243 = arith.addi %add3A_241, %add3A_242 : i32
        %dma_start3A_244 = arith.constant 0 : i32
        %dma_start3A_245 = tpu.memref_slice %arg5[%add3A_243, %dma_start3A_244] : memref<50x128xi32, #tpu.memory_space<vmem>> -> memref<1x128xi32, #tpu.memory_space<vmem>>
        %dma_start3A_246 = tpu.memref_squeeze %dma_start3A_245 : memref<1x128xi32, #tpu.memory_space<vmem>> -> memref<128xi32, #tpu.memory_space<vmem>>
        %dma_start3A_247 = arith.constant 0 : i32
        %dma_start3A_248 = arith.constant 0 : i32
        %dma_start3A_249 = tpu.memref_slice %arg2[%dma_start3A_247, %dma_start3A_248] : memref<100000x128xf32, #tpu.memory_space<hbm>> -> memref<100000x128xf32, #tpu.memory_space<hbm>>
        tpu.enqueue_indirect_dma source(%dma_start3A_249 : memref<100000x128xf32, #tpu.memory_space<hbm>>) target(%arg12 : memref<128x128xf32, #tpu.memory_space<vmem>>) offsets(%dma_start3A_246 : memref<128xi32, #tpu.memory_space<vmem>>) semaphore(%arg19 : memref<!tpu.dma_semaphore, #tpu.memory_space<semaphore_mem>>)
      } else {
      }
      %scan3A_239 = arith.constant 0 : i32
      scf.yield %scan3A_239 : i32
    }
    %scan3A_56 = arith.constant 8 : i32
    %add3A_57 = arith.constant 0 : i32
    %add3A_58 = arith.addi %mul3A_2, %add3A_57 : i32
    %dma_start3A_59 = arith.constant 0 : i32
    %dma_start3A_60 = tpu.memref_slice %arg4[%add3A_58, %dma_start3A_59] : memref<204800x128xf32, #tpu.memory_space<hbm>> -> memref<128x128xf32, #tpu.memory_space<hbm>>
    %dma_start3A_61 = arith.constant 0 : i32
    %dma_start3A_62 = tpu.memref_slice %arg4[%add3A_58, %dma_start3A_61] : memref<204800x128xf32, #tpu.memory_space<hbm>> -> memref<128x128xf32, #tpu.memory_space<hbm>>
    tpu.enqueue_dma source(%arg6 : memref<128x128xf32, #tpu.memory_space<vmem>>) target(%dma_start3A_62 : memref<128x128xf32, #tpu.memory_space<hbm>>) target_semaphore(%arg20 : memref<!tpu.dma_semaphore, #tpu.memory_space<semaphore_mem>>)
    %add3A_63 = arith.constant 128 : i32
    %add3A_64 = arith.addi %mul3A_2, %add3A_63 : i32
    %dma_start3A_65 = arith.constant 0 : i32
    %dma_start3A_66 = tpu.memref_slice %arg4[%add3A_64, %dma_start3A_65] : memref<204800x128xf32, #tpu.memory_space<hbm>> -> memref<128x128xf32, #tpu.memory_space<hbm>>
    %dma_start3A_67 = arith.constant 0 : i32
    %dma_start3A_68 = tpu.memref_slice %arg4[%add3A_64, %dma_start3A_67] : memref<204800x128xf32, #tpu.memory_space<hbm>> -> memref<128x128xf32, #tpu.memory_space<hbm>>
    tpu.enqueue_dma source(%arg7 : memref<128x128xf32, #tpu.memory_space<vmem>>) target(%dma_start3A_68 : memref<128x128xf32, #tpu.memory_space<hbm>>) target_semaphore(%arg21 : memref<!tpu.dma_semaphore, #tpu.memory_space<semaphore_mem>>)
    %add3A_69 = arith.constant 256 : i32
    %add3A_70 = arith.addi %mul3A_2, %add3A_69 : i32
    %dma_start3A_71 = arith.constant 0 : i32
    %dma_start3A_72 = tpu.memref_slice %arg4[%add3A_70, %dma_start3A_71] : memref<204800x128xf32, #tpu.memory_space<hbm>> -> memref<128x128xf32, #tpu.memory_space<hbm>>
    %dma_start3A_73 = arith.constant 0 : i32
    %dma_start3A_74 = tpu.memref_slice %arg4[%add3A_70, %dma_start3A_73] : memref<204800x128xf32, #tpu.memory_space<hbm>> -> memref<128x128xf32, #tpu.memory_space<hbm>>
    tpu.enqueue_dma source(%arg8 : memref<128x128xf32, #tpu.memory_space<vmem>>) target(%dma_start3A_74 : memref<128x128xf32, #tpu.memory_space<hbm>>) target_semaphore(%arg22 : memref<!tpu.dma_semaphore, #tpu.memory_space<semaphore_mem>>)
    %add3A_75 = arith.constant 384 : i32
    %add3A_76 = arith.addi %mul3A_2, %add3A_75 : i32
    %dma_start3A_77 = arith.constant 0 : i32
    %dma_start3A_78 = tpu.memref_slice %arg4[%add3A_76, %dma_start3A_77] : memref<204800x128xf32, #tpu.memory_space<hbm>> -> memref<128x128xf32, #tpu.memory_space<hbm>>
    %dma_start3A_79 = arith.constant 0 : i32
    %dma_start3A_80 = tpu.memref_slice %arg4[%add3A_76, %dma_start3A_79] : memref<204800x128xf32, #tpu.memory_space<hbm>> -> memref<128x128xf32, #tpu.memory_space<hbm>>
    tpu.enqueue_dma source(%arg9 : memref<128x128xf32, #tpu.memory_space<vmem>>) target(%dma_start3A_80 : memref<128x128xf32, #tpu.memory_space<hbm>>) target_semaphore(%arg23 : memref<!tpu.dma_semaphore, #tpu.memory_space<semaphore_mem>>)
    %add3A_81 = arith.constant 512 : i32
    %add3A_82 = arith.addi %mul3A_2, %add3A_81 : i32
    %dma_start3A_83 = arith.constant 0 : i32
    %dma_start3A_84 = tpu.memref_slice %arg4[%add3A_82, %dma_start3A_83] : memref<204800x128xf32, #tpu.memory_space<hbm>> -> memref<128x128xf32, #tpu.memory_space<hbm>>
    %dma_start3A_85 = arith.constant 0 : i32
    %dma_start3A_86 = tpu.memref_slice %arg4[%add3A_82, %dma_start3A_85] : memref<204800x128xf32, #tpu.memory_space<hbm>> -> memref<128x128xf32, #tpu.memory_space<hbm>>
    tpu.enqueue_dma source(%arg10 : memref<128x128xf32, #tpu.memory_space<vmem>>) target(%dma_start3A_86 : memref<128x128xf32, #tpu.memory_space<hbm>>) target_semaphore(%arg24 : memref<!tpu.dma_semaphore, #tpu.memory_space<semaphore_mem>>)
    %add3A_87 = arith.constant 640 : i32
    %add3A_88 = arith.addi %mul3A_2, %add3A_87 : i32
    %dma_start3A_89 = arith.constant 0 : i32
    %dma_start3A_90 = tpu.memref_slice %arg4[%add3A_88, %dma_start3A_89] : memref<204800x128xf32, #tpu.memory_space<hbm>> -> memref<128x128xf32, #tpu.memory_space<hbm>>
    %dma_start3A_91 = arith.constant 0 : i32
    %dma_start3A_92 = tpu.memref_slice %arg4[%add3A_88, %dma_start3A_91] : memref<204800x128xf32, #tpu.memory_space<hbm>> -> memref<128x128xf32, #tpu.memory_space<hbm>>
    tpu.enqueue_dma source(%arg11 : memref<128x128xf32, #tpu.memory_space<vmem>>) target(%dma_start3A_92 : memref<128x128xf32, #tpu.memory_space<hbm>>) target_semaphore(%arg25 : memref<!tpu.dma_semaphore, #tpu.memory_space<semaphore_mem>>)
    %add3A_93 = arith.constant 768 : i32
    %add3A_94 = arith.addi %mul3A_2, %add3A_93 : i32
    %dma_start3A_95 = arith.constant 0 : i32
    %dma_start3A_96 = tpu.memref_slice %arg4[%add3A_94, %dma_start3A_95] : memref<204800x128xf32, #tpu.memory_space<hbm>> -> memref<128x128xf32, #tpu.memory_space<hbm>>
    %dma_start3A_97 = arith.constant 0 : i32
    %dma_start3A_98 = tpu.memref_slice %arg4[%add3A_94, %dma_start3A_97] : memref<204800x128xf32, #tpu.memory_space<hbm>> -> memref<128x128xf32, #tpu.memory_space<hbm>>
    tpu.enqueue_dma source(%arg12 : memref<128x128xf32, #tpu.memory_space<vmem>>) target(%dma_start3A_98 : memref<128x128xf32, #tpu.memory_space<hbm>>) target_semaphore(%arg26 : memref<!tpu.dma_semaphore, #tpu.memory_space<semaphore_mem>>)
    %dma_wait3A = arith.constant 0 : i32
    %dma_wait3A_99 = tpu.memref_slice %arg4[%mul3A_2, %dma_wait3A] : memref<204800x128xf32, #tpu.memory_space<hbm>> -> memref<128x128xf32, #tpu.memory_space<hbm>>
    %dma_wait3A_100 = arith.constant 0 : i32
    %dma_wait3A_101 = tpu.memref_slice %arg4[%mul3A_2, %dma_wait3A_100] : memref<204800x128xf32, #tpu.memory_space<hbm>> -> memref<128x128xf32, #tpu.memory_space<hbm>>
    tpu.wait_dma2 semaphore(%arg20 : memref<!tpu.dma_semaphore, #tpu.memory_space<semaphore_mem>>) src(%arg6 : memref<128x128xf32, #tpu.memory_space<vmem>>) dst(%dma_wait3A_101 : memref<128x128xf32, #tpu.memory_space<hbm>>)
    %dma_wait3A_102 = arith.constant 0 : i32
    %dma_wait3A_103 = tpu.memref_slice %arg4[%mul3A_2, %dma_wait3A_102] : memref<204800x128xf32, #tpu.memory_space<hbm>> -> memref<128x128xf32, #tpu.memory_space<hbm>>
    %dma_wait3A_104 = arith.constant 0 : i32
    %dma_wait3A_105 = tpu.memref_slice %arg4[%mul3A_2, %dma_wait3A_104] : memref<204800x128xf32, #tpu.memory_space<hbm>> -> memref<128x128xf32, #tpu.memory_space<hbm>>
    tpu.wait_dma2 semaphore(%arg21 : memref<!tpu.dma_semaphore, #tpu.memory_space<semaphore_mem>>) src(%arg7 : memref<128x128xf32, #tpu.memory_space<vmem>>) dst(%dma_wait3A_105 : memref<128x128xf32, #tpu.memory_space<hbm>>)
    %dma_wait3A_106 = arith.constant 0 : i32
    %dma_wait3A_107 = tpu.memref_slice %arg4[%mul3A_2, %dma_wait3A_106] : memref<204800x128xf32, #tpu.memory_space<hbm>> -> memref<128x128xf32, #tpu.memory_space<hbm>>
    %dma_wait3A_108 = arith.constant 0 : i32
    %dma_wait3A_109 = tpu.memref_slice %arg4[%mul3A_2, %dma_wait3A_108] : memref<204800x128xf32, #tpu.memory_space<hbm>> -> memref<128x128xf32, #tpu.memory_space<hbm>>
    tpu.wait_dma2 semaphore(%arg22 : memref<!tpu.dma_semaphore, #tpu.memory_space<semaphore_mem>>) src(%arg8 : memref<128x128xf32, #tpu.memory_space<vmem>>) dst(%dma_wait3A_109 : memref<128x128xf32, #tpu.memory_space<hbm>>)
    %dma_wait3A_110 = arith.constant 0 : i32
    %dma_wait3A_111 = tpu.memref_slice %arg4[%mul3A_2, %dma_wait3A_110] : memref<204800x128xf32, #tpu.memory_space<hbm>> -> memref<128x128xf32, #tpu.memory_space<hbm>>
    %dma_wait3A_112 = arith.constant 0 : i32
    %dma_wait3A_113 = tpu.memref_slice %arg4[%mul3A_2, %dma_wait3A_112] : memref<204800x128xf32, #tpu.memory_space<hbm>> -> memref<128x128xf32, #tpu.memory_space<hbm>>
    tpu.wait_dma2 semaphore(%arg23 : memref<!tpu.dma_semaphore, #tpu.memory_space<semaphore_mem>>) src(%arg9 : memref<128x128xf32, #tpu.memory_space<vmem>>) dst(%dma_wait3A_113 : memref<128x128xf32, #tpu.memory_space<hbm>>)
    %dma_wait3A_114 = arith.constant 0 : i32
    %dma_wait3A_115 = tpu.memref_slice %arg4[%mul3A_2, %dma_wait3A_114] : memref<204800x128xf32, #tpu.memory_space<hbm>> -> memref<128x128xf32, #tpu.memory_space<hbm>>
    %dma_wait3A_116 = arith.constant 0 : i32
    %dma_wait3A_117 = tpu.memref_slice %arg4[%mul3A_2, %dma_wait3A_116] : memref<204800x128xf32, #tpu.memory_space<hbm>> -> memref<128x128xf32, #tpu.memory_space<hbm>>
    tpu.wait_dma2 semaphore(%arg24 : memref<!tpu.dma_semaphore, #tpu.memory_space<semaphore_mem>>) src(%arg10 : memref<128x128xf32, #tpu.memory_space<vmem>>) dst(%dma_wait3A_117 : memref<128x128xf32, #tpu.memory_space<hbm>>)
    %dma_wait3A_118 = arith.constant 0 : i32
    %dma_wait3A_119 = tpu.memref_slice %arg4[%mul3A_2, %dma_wait3A_118] : memref<204800x128xf32, #tpu.memory_space<hbm>> -> memref<128x128xf32, #tpu.memory_space<hbm>>
    %dma_wait3A_120 = arith.constant 0 : i32
    %dma_wait3A_121 = tpu.memref_slice %arg4[%mul3A_2, %dma_wait3A_120] : memref<204800x128xf32, #tpu.memory_space<hbm>> -> memref<128x128xf32, #tpu.memory_space<hbm>>
    tpu.wait_dma2 semaphore(%arg25 : memref<!tpu.dma_semaphore, #tpu.memory_space<semaphore_mem>>) src(%arg11 : memref<128x128xf32, #tpu.memory_space<vmem>>) dst(%dma_wait3A_121 : memref<128x128xf32, #tpu.memory_space<hbm>>)
    %dma_wait3A_122 = arith.constant 0 : i32
    %dma_wait3A_123 = tpu.memref_slice %arg4[%mul3A_2, %dma_wait3A_122] : memref<204800x128xf32, #tpu.memory_space<hbm>> -> memref<128x128xf32, #tpu.memory_space<hbm>>
    %dma_wait3A_124 = arith.constant 0 : i32
    %dma_wait3A_125 = tpu.memref_slice %arg4[%mul3A_2, %dma_wait3A_124] : memref<204800x128xf32, #tpu.memory_space<hbm>> -> memref<128x128xf32, #tpu.memory_space<hbm>>
    tpu.wait_dma2 semaphore(%arg26 : memref<!tpu.dma_semaphore, #tpu.memory_space<semaphore_mem>>) src(%arg12 : memref<128x128xf32, #tpu.memory_space<vmem>>) dst(%dma_wait3A_125 : memref<128x128xf32, #tpu.memory_space<hbm>>)
    return
  }
}

</mosaic_0001>

<sc_bundles>
// kernel: kernel.3.cloned.1.call-start
scs
__scs_entry_jumppad:
0x0: {  	(pc) =	sbr.rel $0x88, $3  }
0x1: {  	(tag) =	ssettag $0x0;
	lr =	simm.s32 $0x1  }
0x2: {  	[smem:$0x3F9F] =	sst lr;
	_ =	strace $0xD0000000  }
0x3: {  	_ = 	snop  }
0x4: {  	_ = 	snop  }
0x5: {  	_ = 	snop  }
0x6: {  	_ = 	snop  }
0x7: {  	_ = 	snop  }
__scs_overlays_trampoline_lowered:
0x8: {  	[smem:$0x3FAE] =	sst s0  }
0x9: {  	[smem:$0x3FAF] =	sst s1  }
0xa: {  	[smem:$0x3FB0] =	sst s2  }
0xb: {  	[smem:$0x3FB1] =	sst s3  }
0xc: {  	[smem:$0x3FB2] =	sst s4  }
0xd: {  	[smem:$0x3FB3] =	sst s5  }
0xe: {  	[smem:$0x3FB4] =	sst s6  }
0xf: {  	[smem:$0x3FB5] =	sst s7  }
0x10: {  	[smem:$0x3FB6] =	sst s8  }
0x11: {  	[smem:$0x3FB7] =	sst s9;
	s0 =	simm.s32 @!p0 $0x0  }
0x12: {  	s1 =	sld [smem:$0x3F9D];
	s0 =	simm.s32 @p0 $0x1  }
0x13: {  	[smem:$0x3FB8] =	sst s0;
	s0 =	simm.s32 @!p1 $0x0  }
0x14: {  	s2 =	sld [smem:$0x3F9C];
	s0 =	simm.s32 @p1 $0x1  }
0x15: {  	[smem:$0x3FB9] =	sst s0;
	s0 =	simm.s32 @!p2 $0x0  }
0x16: {  	s3 =	sld [smem:$0x3FDB];
	s0 =	simm.s32 @p2 $0x1  }
0x17: {  	s4 =	simm.s32 $0x1BF5;
	[smem:$0x3FBB] =	sst s0  }
0x18: {  	s0 =	sld [smem:$0x3F9E];
	_ =	swait.ge [sflag:s4], $0x0  }
0x19: {  	s7 =	sld [smem:$0x3F9F]  }
0x1a: {  	s8 =	sadd.s32 $0xFFFFE003, lr  }
0x1b: {  	s9 =	sadd.s32 $0xFFFFFEF7, lr;
	s5 =	simm.s32 $0xFFFFFFFF;
	p2 =	slt.u32 s8, $0xFFFFF086  }
0x1c: {  	p1 =	slt.u32 s9, $0xF7A;
	s5 =	simm.s32 @!p2 $0x0  }
0x1d: {  	s5 =	simm.s32 @p1 $0x1;
	p0 =	seq.s32 s7, s2  }
0x1e: {  	s7 =	smul.u32 @!p0 $0xF7A, s2;
	p2 =	seq.s32 @!p0 s5, $0x0  }
0x1f: {  	s9 =	smul.u32 $0xF7A, s1;
	s8 =	simm.s32 @!p0 $0x1BF5;
	p2 =	por !p2, p0  }
0x20: {  	[sflag:s8] =	ssyncset.s32 @!p0 $0xFFFFF086;
	s6 =	sadd.s32 @!p0 s3, s7;
	s7 =	simm.s32 @!p0 $0x108  }
0x21: {  	s3 =	sadd.s32 s3, s9;
	s6 =	sadd.s32 @!p0 $0x88, s6;
	s7 =	simm.s32 @p2 $0x1082  }
0x22: {  	[simem:s7], [sflag:s8] =	dma.local @!p0 [hbm:s6], $0xF7A  }
0x23: {  	s9 =	sor.u32 $0xD0000000, s2;
	s6 =	simm.s32 $0x108;
	_ =	swait.ge @!p0 [sflag:s8], $0x0  }
0x24: {  	s3 =	sadd.s32 $0x88, s3;
	s6 =	simm.s32 @!p1 $0x1082;
	[sflag:s4] =	ssyncset.s32 $0xFFFFF086  }
0x25: {  	[simem:s6], [sflag:s4] =	dma.local [hbm:s3], $0xF7A  }
0x26: {  	[smem:$0x3F9F] =	sst s1;
	(tag) =	ssettag s2;
	_ =	strace s9  }
0x27: {  	s1 =	sld [smem:$0x3FAF]  }
0x28: {  	s2 =	sld [smem:$0x3FB0]  }
0x29: {  	s4 =	sld [smem:$0x3FB2]  }
0x2a: {  	p0 =	seq.s32 s5, $0x0;
	s5 =	sld [smem:$0x3FB3]  }
0x2b: {  	s6 =	sld [smem:$0x3FB4]  }
0x2c: {  	s7 =	sld [smem:$0x3FB5]  }
0x2d: {  	s3 =	simm.s32 $0x108;
	s8 =	sld [smem:$0x3FB6]  }
0x2e: {  	s3 =	simm.s32 @!p0 $0x1082;
	s9 =	sld [smem:$0x3FB7]  }
0x2f: {  	lr =	sadd.s32 s0, s3;
	s0 =	sld [smem:$0x3FAE]  }
0x30: {  	s3 =	sld [smem:$0x3FB1]  }
0x31: {  	[smem:$0x3FBA] =	sst s10  }
0x32: {  	s10 =	sld [smem:$0x3FB8];
	_ =	sdelay $0x3  }
0x33: {  	p0 =	seq.s32 s10, $0x1;
	s10 =	sld [smem:$0x3FBA];
	_ =	sdelay $0x3  }
0x34: {  	[smem:$0x3FBA] =	sst s10  }
0x35: {  	s10 =	sld [smem:$0x3FB9];
	_ =	sdelay $0x3  }
0x36: {  	p1 =	seq.s32 s10, $0x1;
	s10 =	sld [smem:$0x3FBA];
	_ =	sdelay $0x3  }
0x37: {  	[smem:$0x3FBA] =	sst s10  }
0x38: {  	s10 =	sld [smem:$0x3FBB]  }
0x39: {  	_ = 	snop;
	(pc) =	sbr.ind lr, $3  }
0x3a: {  	_ = 	snop  }
0x3b: {  	_ = 	snop  }
0x3c: {  	p2 =	seq.s32 s10, $0x1;
	s10 =	sld [smem:$0x3FBA]  }
0x3d: {  	_ =	shalt  }
0x3e: {  	_ =	shalt  }
0x3f: {  	_ =	shalt  }
0x40: {  	_ =	shalt  }
0x41: {  	_ =	shalt  }
0x42: {  	_ =	shalt  }
0x43: {  	_ =	shalt  }
0x44: {  	_ =	shalt  }
0x45: {  	_ =	shalt  }
0x46: {  	_ =	shalt  }
0x47: {  	_ =	shalt  }
0x48: {  	_ =	shalt  }
0x49: {  	_ =	shalt  }
0x4a: {  	_ =	shalt  }
0x4b: {  	_ =	shalt  }
0x4c: {  	_ =	shalt  }
0x4d: {  	_ =	shalt  }
0x4e: {  	_ =	shalt  }
0x4f: {  	_ =	shalt  }
0x50: {  	_ =	shalt  }
0x51: {  	_ =	shalt  }
0x52: {  	_ =	shalt  }
0x53: {  	_ =	shalt  }
0x54: {  	_ =	shalt  }
0x55: {  	_ =	shalt  }
0x56: {  	_ =	shalt  }
0x57: {  	_ =	shalt  }
0x58: {  	_ =	shalt  }
0x59: {  	_ =	shalt  }
0x5a: {  	_ =	shalt  }
0x5b: {  	_ =	shalt  }
0x5c: {  	_ =	shalt  }
0x5d: {  	_ =	shalt  }
0x5e: {  	_ =	shalt  }
0x5f: {  	_ =	shalt  }
0x60: {  	_ =	shalt  }
0x61: {  	_ =	shalt  }
0x62: {  	_ =	shalt  }
0x63: {  	_ =	shalt  }
0x64: {  	_ =	shalt  }
0x65: {  	_ =	shalt  }
0x66: {  	_ =	shalt  }
0x67: {  	_ =	shalt  }
0x68: {  	_ =	shalt  }
0x69: {  	_ =	shalt  }
0x6a: {  	_ =	shalt  }
0x6b: {  	_ =	shalt  }
0x6c: {  	_ =	shalt  }
0x6d: {  	_ =	shalt  }
0x6e: {  	_ =	shalt  }
0x6f: {  	_ =	shalt  }
0x70: {  	_ =	shalt  }
0x71: {  	_ =	shalt  }
0x72: {  	_ =	shalt  }
0x73: {  	_ =	shalt  }
0x74: {  	_ =	shalt  }
0x75: {  	_ =	shalt  }
0x76: {  	_ =	shalt  }
0x77: {  	_ =	shalt  }
0x78: {  	_ =	shalt  }
0x79: {  	_ =	shalt  }
0x7a: {  	_ =	shalt  }
0x7b: {  	_ =	shalt  }
0x7c: {  	_ =	shalt  }
0x7d: {  	_ =	shalt  }
0x7e: {  	_ =	shalt  }
0x7f: {  	_ =	shalt  }
0x80: {  	_ =	shalt  }
0x81: {  	_ =	shalt  }
0x82: {  	_ =	shalt  }
0x83: {  	_ =	shalt  }
0x84: {  	_ =	shalt  }
0x85: {  	_ =	shalt  }
0x86: {  	_ =	shalt  }
0x87: {  	_ =	shalt  }
.Lfunc_end0:
.L_simem_size_0:
called_computation_lowered:
.L_overlay_start_0:
0x88: {  	s2 =	sld [smem:$0x3FD9]  }
0x89: {  	s3 =	sld [smem:$0x3FFE];
	_ =	sdelay $0x1  }
0x8a: {  	s1 =	srdreg.scid  }
0x8b: {  	s0 =	sand.u32 $0x1, s1  }
0x8c: {  	s17 =	sshll.u32 s0, $0xA;
	s2 =	sadd.s32 s3, s2  }
0x8d: {  	s2 =	sadd.s32 s2, s17  }
0x8e: {  	[smem:$0x3FC6] =	sst s2  }
0x8f: {  	_ = 	snop  }
0x90: {  	s2 =	sld [smem:$0x3FC9]  }
0x91: {  	s18 =	sld [smem:$0x3FD0];
	(tm) =	ssettm $0x1  }
0x92: {  	s4 =	sld [smem:$0x3FFB];
	_ =	sdelay $0x3  }
0x93: {  	_ =	strace s4  }
0x94: {  	s4 =	sld [smem:$0x3FFC];
	_ =	sdelay $0x3  }
0x95: {  	_ =	strace s4  }
0x96: {  	s4 =	sld [smem:$0x3FFD];
	_ =	sdelay $0x3  }
0x97: {  	_ =	strace s4  }
0x98: {  	_ =	strace $0x8FFFFFFF  }
0x99: {  	s19 =	sld [smem:$0x3FDB];
	_ =	sdelay $0x1  }
0x9a: {  	s5 =	simm.s32 $_scs_section_size  }
0x9b: {  	s6 =	simm.s32 $_size__tile_overlayer_lowered;
	s7 =	simm.s32 $_tile_overlayer_lowered  }
0x9c: {  	s22 =	simm.s32 $0x1BFF;
	s21 =	sshll.u32 s7, $0x1;
	s4 =	sadd.s32 s5, s19  }
0x9d: {  	s8 =	simm.s32 $0x0;
	s20 =	sshll.u32 s6, $0x1;
	s6 =	sadd.s32 s21, s4  }
0x9e: {  	[timem:s8], [sflag:s22] =	dma.local [hbm:s6], s20  }
0x9f: {  	_ =	swait.ge [sflag:s22], s20  }
0xa0: {  	s5 =	ssub.s32 $0x0, s20;
	[sflag:s22] =	ssyncset.done $0x0  }
0xa1: {  	[sflag:s22] =	ssyncadd.s32 s5;
	_ =	sdelay $0x1  }
0xa2: {  	s23 =	simm.s32 $0x1B8B  }
0xa3: {  	_ =	swait.ge [sflag:s23], $0x1  }
0xa4: {  	[sflag:s23] =	ssyncset.done $0x0  }
0xa5: {  	s25 =	simm.s32 $0x1B8E;
	s24 =	sld [smem:$0x3FFE];
	[sflag:s23] =	ssyncadd.s32 $0xFFFFFFFF  }
0xa6: {  	s26 =	simm.s32 $execute0_lowered;
	[smem:$0x3FD2] =	sst s25  }
0xa7: {  	s6 =	sshll.u32 s26, $0x1;
	_ =	strace $0x80000046;
	[dreg:$0x1] =	wrdreg $0xFFFFFFFF  }
0xa8: {  	s28 =	simm.s32 $_size_execute0_lowered;
	s4 =	sadd.s32 s4, s6;
	[dreg:$0x0] =	wrdreg $0x0  }
0xa9: {  	s6 =	sshll.u32 s28, $0x1;
	[dreg:$0x2] =	wrdreg s4  }
0xaa: {  	[dreg:$0x3] =	wrdreg s6  }
0xab: {  	[dreg:$0x4] =	wrdreg $0xC0  }
0xac: {  	_ =	task [dreg:s8], $0x5FFFF  }
0xad: {  	[dreg:$0x1] =	wrdreg $0xFFFFFFFF  }
0xae: {  	[dreg:$0x0] =	wrdreg $0x60  }
0xaf: {  	[dreg:$0x2] =	wrdreg s2  }
0xb0: {  	[dreg:$0x3] =	wrdreg s24  }
0xb1: {  	[dreg:$0x4] =	wrdreg s18  }
0xb2: {  	[dreg:$0x5] =	wrdreg $0x9  }
0xb3: {  	_ =	task.clear_ibuf [dreg:s8], $0x6FFFF;
	_ =	strace $0x90000046  }
0xb4: {  	s29 =	simm.s32 $0x9;
	_ =	strace $0x80000048  }
0xb5: {  	_ =	swait.ge [sflag:s29], $0x1  }
0xb6: {  	[sflag:s29] =	ssyncadd.s32 $0xFFFFFFFF  }
0xb7: {  	_ =	strace $0x90000048  }
0xb8: {  	_ =	sfence  }
0xb9: {  	s30 =	sld [smem:$0x0];
	_ =	sdelay $0x2  }
0xba: {  	s31 =	sshll.u32 s1, $0xD;
	s1 =	sshrl.u32 s1, $0x2  }
0xbb: {  	s3 =	sand.u32 $0x4000, s31;
	s1 =	sadd.s32 s1, s30  }
0xbc: {  	s0 =	sor.u32 s3, s0;
	s1 =	sshll.u32 s1, $0x11  }
0xbd: {  	s0 =	sor.u32 s1, s0  }
0xbe: {  	s0 =	sadd.s32 $0x8F2B, s0  }
0xbf: {  	[sflag:s0] =	ssyncadd.remote.s32 $0x1  }
0xc0: {  	_ =	sfence.sel $0xFFFF  }
0xc1: {  	[dreg:$0x0] =	wrdreg $0xFFFFFFFF;
	(pc) =	sbr.abs _section_cstart, $3  }
0xc2: {  	[dreg:$0x1] =	wrdreg $0xFFFFFFFF  }
0xc3: {  	_ =	task.clear_ibuf [dreg:s8], $0x2FFFF;
	_ =	strace $0x9FFFFFFF  }
0xc4: {  	(tm) =	ssettm $0x7FFFFFFF  }
0xc5: {  	_ =	shalt  }
tec
execute0_lowered:
.L_overlay_start_1:
0x0: {  	(tag) =	ssettag $0x1  }
0x1: {  	s3 =	rddreg [dreg:$0x0]  }
0x2: {  	s4 =	rddreg [dreg:$0x1]  }
0x3: {  	s5 =	rddreg [dreg:$0x2];
	s2 =	simm.s32 $0x0  }
0x4: {  	s10 =	simm.s32 $0x100;
	[smem:$0x7FF] =	sst s2  }
0x5: {  	s11 =	simm.s32 $0x180;
	_ =	strace $0x80000047;
	[dreg:$0xb] =	wrdreg s10  }
0x6: {  	s12 =	simm.s32 $0x200;
	[dreg:$0xc] =	wrdreg s11  }
0x7: {  	s13 =	simm.s32 $0x280;
	[dreg:$0xd] =	wrdreg s12  }
0x8: {  	s14 =	simm.s32 $0x300;
	[dreg:$0xe] =	wrdreg s13  }
0x9: {  	s15 =	simm.s32 $0x380;
	[dreg:$0xf] =	wrdreg s14  }
0xa: {  	s16 =	simm.s32 $0x400;
	[dreg:$0x10] =	wrdreg s15  }
0xb: {  	s17 =	simm.s32 $0x480;
	[dreg:$0x11] =	wrdreg s16  }
0xc: {  	s18 =	simm.s32 $0x500;
	[dreg:$0x12] =	wrdreg s17  }
0xd: {  	s19 =	simm.s32 $0x580;
	[dreg:$0x13] =	wrdreg s18  }
0xe: {  	s20 =	simm.s32 $0x600;
	[dreg:$0x14] =	wrdreg s19  }
0xf: {  	s0 =	srdreg.scid;
	s21 =	simm.s32 $0x680;
	[dreg:$0x15] =	wrdreg s20  }
0x10: {  	s28 =	stileid.u32;
	s22 =	simm.s32 $0x700;
	[dreg:$0x16] =	wrdreg s21  }
0x11: {  	s23 =	simm.s32 $0x780;
	s24 =	simm.s32 $0x800;
	[dreg:$0x17] =	wrdreg s22  }
0x12: {  	s1 =	sand.u32 $0x1, s0;
	s25 =	sshll.u32 s28, $0x1;
	[dreg:$0x18] =	wrdreg s23  }
0x13: {  	s0 =	sor.u32 s1, s25;
	[dreg:$0x19] =	wrdreg s24;
	s25 =	simm.s32 $0x880  }
0x14: {  	s10 =	simm.s32 $0xC00;
	[dreg:$0x1a] =	wrdreg s25  }
0x15: {  	s11 =	simm.s32 $0xC80;
	[smem:$0x7E7] =	sst s10  }
0x16: {  	s12 =	simm.s32 $0xD00;
	[smem:$0x7E8] =	sst s11  }
0x17: {  	s31 =	simm.s32 $0xF;
	s13 =	simm.s32 $0xD80;
	[smem:$0x7E9] =	sst s12  }
0x18: {  	s30 =	simm.s32 $0x1800;
	s15 =	simm.s32 $0xE00;
	[smem:$0x7EA] =	sst s13  }
0x19: {  	s29 =	simm.s32 $0x1880;
	s16 =	simm.s32 $0xE80;
	[smem:$0x7EB] =	sst s15  }
0x1a: {  	p0 =	por $0x0, $0x0;
	s17 =	simm.s32 $0xF00;
	[smem:$0x7EC] =	sst s16  }
0x1b: {  	s1 =	ssub.s32 $0x2, s1;
	s18 =	simm.s32 $0xF80;
	[smem:$0x7ED] =	sst s17  }
0x1c: {  	s19 =	simm.s32 $0x1000;
	s20 =	simm.s32 $0x1080;
	[smem:$0x7EE] =	sst s18  }
0x1d: {  	s21 =	simm.s32 $0x1100;
	s22 =	simm.s32 $0x1180;
	[smem:$0x7EF] =	sst s19  }
0x1e: {  	s23 =	simm.s32 $0x1200;
	s6 =	smul.u32 $0x380, s0;
	[smem:$0x7F0] =	sst s20  }
0x1f: {  	s24 =	simm.s32 $0x1280;
	s7 =	smul.u32 $0x19000, s0;
	[smem:$0x7F1] =	sst s21  }
0x20: {  	s0 =	smul.u32 $0xC8000, s0;
	s14 =	sshrl.u32 s1, $0x1;
	[smem:$0x7F2] =	sst s22  }
0x21: {  	s10 =	simm.s32 $0x11C00;
	[smem:$0x7F3] =	sst s23;
	s11 =	simm.s32 $0x15C00  }
0x22: {  	[smem:$0x7F4] =	sst s24;
	s25 =	simm.s32 $0x1300;
	s12 =	simm.s32 $0x19C00  }
0x23: {  	s13 =	simm.s32 $0x1;
	s15 =	simm.s32 $0x1480;
	[smem:$0x7F5] =	sst s25  }
0x24: {  	s21 =	simm.s32 $0x2;
	s16 =	simm.s32 $0x1500;
	[smem:$0x7F8] =	sst s15  }
0x25: {  	s22 =	simm.s32 $0x3;
	s17 =	simm.s32 $0x1580;
	[smem:$0x7F9] =	sst s16  }
0x26: {  	s23 =	simm.s32 $0x4;
	s18 =	simm.s32 $0x1600;
	[smem:$0x7FA] =	sst s17  }
0x27: {  	s19 =	simm.s32 $0x1680;
	s20 =	simm.s32 $0x1700;
	[smem:$0x7FB] =	sst s18  }
0x28: {  	s1 =	ssub.s32 s1, s14;
	s14 =	simm.s32 $0x1400;
	[smem:$0x7FC] =	sst s19  }
0x29: {  	[smem:$0x7FD] =	sst s20;
	s4 =	sadd.s32 s6, s4;
	s0 =	sshrl.u32 s0, $0x3  }
0x2a: {  	[smem:$0x7F7] =	sst s14;
	s6 =	sadd.s32 $0x400, s4;
	s4 =	sadd.s32 s5, s7  }
0x2b: {  	s0 =	sadd.s32 s5, s0;
	[dreg:$0x4] =	wrdreg s6;
	s26 =	sadd.s32 $0x800, s4  }
0x2c: {  	s24 =	simm.s32 $0x5;
	s5 =	sadd.s32 $0x1000, s0;
	[dreg:$0x5] =	wrdreg s26  }
0x2d: {  	s25 =	simm.s32 $0x6;
	s7 =	sadd.s32 $0x1800, s0;
	[dreg:$0x6] =	wrdreg s5  }
0x2e: {  	s19 =	simm.s32 $0x8;
	s8 =	sadd.s32 $0x2000, s0;
	[dreg:$0x7] =	wrdreg s7  }
0x2f: {  	s20 =	simm.s32 $0x9;
	s9 =	sadd.s32 $0x2800, s0;
	[dreg:$0x8] =	wrdreg s8  }
0x30: {  	s18 =	simm.s32 $0xA;
	s0 =	sadd.s32 $0x3000, s0;
	[dreg:$0x9] =	wrdreg s9  }
0x31: {  	s17 =	simm.s32 $0xB;
	s6 =	simm.s32 $0xA00;
	[dreg:$0xa] =	wrdreg s0  }
0x32: {  	s16 =	simm.s32 $0xC;
	s15 =	simm.s32 $0xD;
	[dreg:$0x1d] =	wrdreg s6  }
0x33: {  	s1 =	smax.u32 s1, $0x1;
	s26 =	simm.s32 $0x900;
	s0 =	rddreg [dreg:$0x4]  }
0x34: {  	s14 =	simm.s32 $0xE;
	s5 =	simm.s32 $0x980;
	[dreg:$0x1b] =	wrdreg s26  }
0x35: {  	p1 =	sne.s32 s1, $0x1;
	s7 =	simm.s32 $0xA80;
	[dreg:$0x1c] =	wrdreg s5  }
.Ltmp0:
0x36: {  	s8 =	simm.s32 $0xB00;
	[dreg:$0x1e] =	wrdreg s7;
	(pc) =	sbr.rel @!p1 .LBB2_1-.Ltmp0, $4  }
0x37: {  	s1 =	sadd.s32 $0xFFFFFFFF, s1;
	s9 =	simm.s32 $0xB80;
	[dreg:$0x1f] =	wrdreg s8  }
0x38: {  	s6 =	simm.s32 $0x5C00;
	[smem:$0x7E6] =	sst s9;
	s7 =	simm.s32 $0x80  }
0x39: {  	s5 =	simm.s32 $0x1C00;
	s8 =	simm.s32 $0x9C00;
	s26 =	simm.s32 $0x1380  }
0x3a: {  	s9 =	simm.s32 $0xDC00;
	[smem:$0x7F6] =	sst s26;
	s26 =	simm.s32 $0x7  }
0x3b: {  	[tilespmem:s2], [sflag:$0xF] =	stream.linear.gather [hbm4b:s0+s2], $0x1900, $0x38;
	[tilespmem:$0x1DC00] =	vst v63  }
0x3c: {  	_ =	swait.ge [sflag:s31], $0x1900  }
0x3d: {  	[sflag:s31] =	ssyncset.done $0x0  }
0x3e: {  	[sflag:s31] =	ssyncadd.s32 $0xFFFFE700  }
0x3f: {  	[tilespmem:s5], [sflag:$0x1] =	stream.indirect.gather [hbm4b:s3+s7], $0x80, s2, s7, $0xb8;
	[tilespmem:$0x1DC00] =	vst v63  }
0x40: {  	_ = 	snop  }
0x41: {  	[tilespmem:s6], [sflag:$0x2] =	stream.indirect.gather [hbm4b:s3+s7], $0x80, s7, s7, $0xb8;
	[tilespmem:$0x1DC00] =	vst v63  }
0x42: {  	s0 =	rddreg [dreg:$0xb]  }
0x43: {  	[tilespmem:s8], [sflag:$0x3] =	stream.indirect.gather [hbm4b:s3+s7], $0x80, s0, s7, $0xb8;
	[tilespmem:$0x1DC00] =	vst v63  }
0x44: {  	s28 =	smov.u32 s1;
	s1 =	rddreg [dreg:$0xc]  }
0x45: {  	[tilespmem:s9], [sflag:$0x4] =	stream.indirect.gather [hbm4b:s3+s7], $0x80, s1, s7, $0xb8;
	[tilespmem:$0x1DC00] =	vst v63  }
0x46: {  	s0 =	rddreg [dreg:$0xd]  }
0x47: {  	[tilespmem:s10], [sflag:$0x5] =	stream.indirect.gather [hbm4b:s3+s7], $0x80, s0, s7, $0xb8;
	[tilespmem:$0x1DC00] =	vst v63  }
0x48: {  	s1 =	rddreg [dreg:$0xe]  }
0x49: {  	[tilespmem:s11], [sflag:$0x6] =	stream.indirect.gather [hbm4b:s3+s7], $0x80, s1, s7, $0xb8;
	[tilespmem:$0x1DC00] =	vst v63  }
0x4a: {  	s0 =	rddreg [dreg:$0xf]  }
0x4b: {  	[tilespmem:s12], [sflag:$0x7] =	stream.indirect.gather [hbm4b:s3+s7], $0x80, s0, s7, $0xb8;
	[tilespmem:$0x1DC00] =	vst v63  }
0x4c: {  	_ =	swait.ge [sflag:s13], $0x4000  }
0x4d: {  	[sflag:s13] =	ssyncset.done $0x0  }
0x4e: {  	[sflag:s13] =	ssyncadd.s32 $0xFFFFC000  }
0x4f: {  	_ =	swait.ge [sflag:s21], $0x4000  }
0x50: {  	[sflag:s21] =	ssyncset.done $0x0  }
0x51: {  	[sflag:s21] =	ssyncadd.s32 $0xFFFFC000  }
0x52: {  	_ =	swait.ge [sflag:s22], $0x4000  }
0x53: {  	[sflag:s22] =	ssyncset.done $0x0  }
0x54: {  	[sflag:s22] =	ssyncadd.s32 $0xFFFFC000  }
0x55: {  	_ =	swait.ge [sflag:s23], $0x4000  }
0x56: {  	[sflag:s23] =	ssyncset.done $0x0  }
0x57: {  	[sflag:s23] =	ssyncadd.s32 $0xFFFFC000  }
0x58: {  	_ =	swait.ge [sflag:s24], $0x4000  }
0x59: {  	[sflag:s24] =	ssyncset.done $0x0  }
0x5a: {  	[sflag:s24] =	ssyncadd.s32 $0xFFFFC000  }
0x5b: {  	_ =	swait.ge [sflag:s25], $0x4000  }
0x5c: {  	[sflag:s25] =	ssyncset.done $0x0  }
0x5d: {  	[sflag:s25] =	ssyncadd.s32 $0xFFFFC000  }
0x5e: {  	_ =	swait.ge [sflag:s26], $0x4000  }
0x5f: {  	[sflag:s26] =	ssyncset.done $0x0  }
0x60: {  	s0 =	rddreg [dreg:$0x10];
	[sflag:s26] =	ssyncadd.s32 $0xFFFFC000  }
0x61: {  	[tilespmem:s5], [sflag:$0x1] =	stream.indirect.gather [hbm4b:s3+s7], $0x80, s0, s7, $0xb8;
	[tilespmem:$0x1DC00] =	vst v63  }
0x62: {  	s1 =	rddreg [dreg:$0x11]  }
0x63: {  	[tilespmem:s6], [sflag:$0x2] =	stream.indirect.gather [hbm4b:s3+s7], $0x80, s1, s7, $0xb8;
	[tilespmem:$0x1DC00] =	vst v63  }
0x64: {  	s0 =	rddreg [dreg:$0x12]  }
0x65: {  	[tilespmem:s8], [sflag:$0x3] =	stream.indirect.gather [hbm4b:s3+s7], $0x80, s0, s7, $0xb8;
	[tilespmem:$0x1DC00] =	vst v63  }
0x66: {  	s1 =	rddreg [dreg:$0x13]  }
0x67: {  	[tilespmem:s9], [sflag:$0x4] =	stream.indirect.gather [hbm4b:s3+s7], $0x80, s1, s7, $0xb8;
	[tilespmem:$0x1DC00] =	vst v63  }
0x68: {  	s0 =	rddreg [dreg:$0x14]  }
0x69: {  	[tilespmem:s10], [sflag:$0x5] =	stream.indirect.gather [hbm4b:s3+s7], $0x80, s0, s7, $0xb8;
	[tilespmem:$0x1DC00] =	vst v63  }
0x6a: {  	s1 =	rddreg [dreg:$0x15]  }
0x6b: {  	[tilespmem:s11], [sflag:$0x6] =	stream.indirect.gather [hbm4b:s3+s7], $0x80, s1, s7, $0xb8;
	[tilespmem:$0x1DC00] =	vst v63  }
0x6c: {  	s0 =	rddreg [dreg:$0x16]  }
0x6d: {  	[tilespmem:s12], [sflag:$0x7] =	stream.indirect.gather [hbm4b:s3+s7], $0x80, s0, s7, $0xb8;
	[tilespmem:$0x1DC00] =	vst v63  }
0x6e: {  	_ =	swait.ge [sflag:s13], $0x4000  }
0x6f: {  	[sflag:s13] =	ssyncset.done $0x0  }
0x70: {  	[sflag:s13] =	ssyncadd.s32 $0xFFFFC000  }
0x71: {  	_ =	swait.ge [sflag:s21], $0x4000  }
0x72: {  	[sflag:s21] =	ssyncset.done $0x0  }
0x73: {  	[sflag:s21] =	ssyncadd.s32 $0xFFFFC000  }
0x74: {  	_ =	swait.ge [sflag:s22], $0x4000  }
0x75: {  	[sflag:s22] =	ssyncset.done $0x0  }
0x76: {  	[sflag:s22] =	ssyncadd.s32 $0xFFFFC000  }
0x77: {  	_ =	swait.ge [sflag:s23], $0x4000  }
0x78: {  	[sflag:s23] =	ssyncset.done $0x0  }
0x79: {  	[sflag:s23] =	ssyncadd.s32 $0xFFFFC000  }
0x7a: {  	_ =	swait.ge [sflag:s24], $0x4000  }
0x7b: {  	[sflag:s24] =	ssyncset.done $0x0  }
0x7c: {  	[sflag:s24] =	ssyncadd.s32 $0xFFFFC000  }
0x7d: {  	_ =	swait.ge [sflag:s25], $0x4000  }
0x7e: {  	[sflag:s25] =	ssyncset.done $0x0  }
0x7f: {  	[sflag:s25] =	ssyncadd.s32 $0xFFFFC000  }
0x80: {  	_ =	swait.ge [sflag:s26], $0x4000  }
0x81: {  	[sflag:s26] =	ssyncset.done $0x0  }
0x82: {  	s0 =	rddreg [dreg:$0x17];
	[sflag:s26] =	ssyncadd.s32 $0xFFFFC000  }
0x83: {  	[tilespmem:s5], [sflag:$0x1] =	stream.indirect.gather [hbm4b:s3+s7], $0x80, s0, s7, $0xb8;
	[tilespmem:$0x1DC00] =	vst v63  }
0x84: {  	s1 =	rddreg [dreg:$0x18]  }
0x85: {  	[tilespmem:s6], [sflag:$0x2] =	stream.indirect.gather [hbm4b:s3+s7], $0x80, s1, s7, $0xb8;
	[tilespmem:$0x1DC00] =	vst v63  }
0x86: {  	s0 =	rddreg [dreg:$0x19]  }
0x87: {  	[tilespmem:s8], [sflag:$0x3] =	stream.indirect.gather [hbm4b:s3+s7], $0x80, s0, s7, $0xb8;
	[tilespmem:$0x1DC00] =	vst v63  }
0x88: {  	s1 =	rddreg [dreg:$0x1a]  }
0x89: {  	[tilespmem:s9], [sflag:$0x4] =	stream.indirect.gather [hbm4b:s3+s7], $0x80, s1, s7, $0xb8;
	[tilespmem:$0x1DC00] =	vst v63  }
0x8a: {  	s0 =	rddreg [dreg:$0x1b]  }
0x8b: {  	[tilespmem:s10], [sflag:$0x5] =	stream.indirect.gather [hbm4b:s3+s7], $0x80, s0, s7, $0xb8;
	[tilespmem:$0x1DC00] =	vst v63  }
0x8c: {  	s1 =	rddreg [dreg:$0x1c]  }
0x8d: {  	[tilespmem:s11], [sflag:$0x6] =	stream.indirect.gather [hbm4b:s3+s7], $0x80, s1, s7, $0xb8;
	[tilespmem:$0x1DC00] =	vst v63  }
0x8e: {  	s0 =	rddreg [dreg:$0x1d]  }
0x8f: {  	[tilespmem:s12], [sflag:$0x7] =	stream.indirect.gather [hbm4b:s3+s7], $0x80, s0, s7, $0xb8;
	[tilespmem:$0x1DC00] =	vst v63  }
0x90: {  	_ =	swait.ge [sflag:s13], $0x4000  }
0x91: {  	[sflag:s13] =	ssyncset.done $0x0  }
0x92: {  	[sflag:s13] =	ssyncadd.s32 $0xFFFFC000  }
0x93: {  	_ =	swait.ge [sflag:s21], $0x4000  }
0x94: {  	[sflag:s21] =	ssyncset.done $0x0  }
0x95: {  	[sflag:s21] =	ssyncadd.s32 $0xFFFFC000  }
0x96: {  	_ =	swait.ge [sflag:s22], $0x4000  }
0x97: {  	[sflag:s22] =	ssyncset.done $0x0  }
0x98: {  	[sflag:s22] =	ssyncadd.s32 $0xFFFFC000  }
0x99: {  	_ =	swait.ge [sflag:s23], $0x4000  }
0x9a: {  	[sflag:s23] =	ssyncset.done $0x0  }
0x9b: {  	[sflag:s23] =	ssyncadd.s32 $0xFFFFC000  }
0x9c: {  	_ =	swait.ge [sflag:s24], $0x4000  }
0x9d: {  	[sflag:s24] =	ssyncset.done $0x0  }
0x9e: {  	[sflag:s24] =	ssyncadd.s32 $0xFFFFC000  }
0x9f: {  	_ =	swait.ge [sflag:s25], $0x4000  }
0xa0: {  	[sflag:s25] =	ssyncset.done $0x0  }
0xa1: {  	[sflag:s25] =	ssyncadd.s32 $0xFFFFC000  }
0xa2: {  	_ =	swait.ge [sflag:s26], $0x4000  }
0xa3: {  	s0 =	rddreg [dreg:$0x1e];
	[sflag:s26] =	ssyncset.done $0x0  }
0xa4: {  	s1 =	rddreg [dreg:$0x1f];
	[sflag:s26] =	ssyncadd.s32 $0xFFFFC000  }
0xa5: {  	[tilespmem:s5], [sflag:$0x1] =	stream.indirect.gather [hbm4b:s3+s7], $0x80, s0, s7, $0xb8;
	[tilespmem:$0x1DC00] =	vst v63  }
0xa6: {  	s0 =	sld [smem:$0x7E6]  }
0xa7: {  	[tilespmem:s6], [sflag:$0x2] =	stream.indirect.gather [hbm4b:s3+s7], $0x80, s1, s7, $0xb8;
	[tilespmem:$0x1DC00] =	vst v63  }
0xa8: {  	s1 =	sld [smem:$0x7E7]  }
0xa9: {  	[tilespmem:s8], [sflag:$0x3] =	stream.indirect.gather [hbm4b:s3+s7], $0x80, s0, s7, $0xb8;
	[tilespmem:$0x1DC00] =	vst v63  }
0xaa: {  	s0 =	sld [smem:$0x7E8]  }
0xab: {  	[tilespmem:s9], [sflag:$0x4] =	stream.indirect.gather [hbm4b:s3+s7], $0x80, s1, s7, $0xb8;
	[tilespmem:$0x1DC00] =	vst v63  }
0xac: {  	s1 =	sld [smem:$0x7E9]  }
0xad: {  	[tilespmem:s10], [sflag:$0x5] =	stream.indirect.gather [hbm4b:s3+s7], $0x80, s0, s7, $0xb8;
	[tilespmem:$0x1DC00] =	vst v63  }
0xae: {  	s0 =	sld [smem:$0x7EA]  }
0xaf: {  	[tilespmem:s11], [sflag:$0x6] =	stream.indirect.gather [hbm4b:s3+s7], $0x80, s1, s7, $0xb8;
	[tilespmem:$0x1DC00] =	vst v63  }
0xb0: {  	_ = 	snop  }
0xb1: {  	[tilespmem:s12], [sflag:$0x7] =	stream.indirect.gather [hbm4b:s3+s7], $0x80, s0, s7, $0xb8;
	[tilespmem:$0x1DC00] =	vst v63  }
0xb2: {  	_ =	swait.ge [sflag:s13], $0x4000  }
0xb3: {  	[sflag:s13] =	ssyncset.done $0x0  }
0xb4: {  	[sflag:s13] =	ssyncadd.s32 $0xFFFFC000  }
0xb5: {  	_ =	swait.ge [sflag:s21], $0x4000  }
0xb6: {  	[sflag:s21] =	ssyncset.done $0x0  }
0xb7: {  	[sflag:s21] =	ssyncadd.s32 $0xFFFFC000  }
0xb8: {  	_ =	swait.ge [sflag:s22], $0x4000  }
0xb9: {  	[sflag:s22] =	ssyncset.done $0x0  }
0xba: {  	[sflag:s22] =	ssyncadd.s32 $0xFFFFC000  }
0xbb: {  	_ =	swait.ge [sflag:s23], $0x4000  }
0xbc: {  	[sflag:s23] =	ssyncset.done $0x0  }
0xbd: {  	[sflag:s23] =	ssyncadd.s32 $0xFFFFC000  }
0xbe: {  	_ =	swait.ge [sflag:s24], $0x4000  }
0xbf: {  	[sflag:s24] =	ssyncset.done $0x0  }
0xc0: {  	[sflag:s24] =	ssyncadd.s32 $0xFFFFC000  }
0xc1: {  	_ =	swait.ge [sflag:s25], $0x4000  }
0xc2: {  	[sflag:s25] =	ssyncset.done $0x0  }
0xc3: {  	[sflag:s25] =	ssyncadd.s32 $0xFFFFC000  }
0xc4: {  	_ =	swait.ge [sflag:s26], $0x4000  }
0xc5: {  	s0 =	sld [smem:$0x7EB]  }
0xc6: {  	[sflag:s26] =	ssyncset.done $0x0  }
0xc7: {  	s1 =	sld [smem:$0x7EC];
	[sflag:s26] =	ssyncadd.s32 $0xFFFFC000  }
0xc8: {  	[tilespmem:s5], [sflag:$0x1] =	stream.indirect.gather [hbm4b:s3+s7], $0x80, s0, s7, $0xb8;
	[tilespmem:$0x1DC00] =	vst v63  }
0xc9: {  	s0 =	sld [smem:$0x7ED]  }
0xca: {  	[tilespmem:s6], [sflag:$0x2] =	stream.indirect.gather [hbm4b:s3+s7], $0x80, s1, s7, $0xb8;
	[tilespmem:$0x1DC00] =	vst v63  }
0xcb: {  	s1 =	sld [smem:$0x7EE]  }
0xcc: {  	[tilespmem:s8], [sflag:$0x3] =	stream.indirect.gather [hbm4b:s3+s7], $0x80, s0, s7, $0xb8;
	[tilespmem:$0x1DC00] =	vst v63  }
0xcd: {  	s0 =	sld [smem:$0x7EF]  }
0xce: {  	[tilespmem:s9], [sflag:$0x4] =	stream.indirect.gather [hbm4b:s3+s7], $0x80, s1, s7, $0xb8;
	[tilespmem:$0x1DC00] =	vst v63  }
0xcf: {  	s1 =	sld [smem:$0x7F0]  }
0xd0: {  	[tilespmem:s10], [sflag:$0x5] =	stream.indirect.gather [hbm4b:s3+s7], $0x80, s0, s7, $0xb8;
	[tilespmem:$0x1DC00] =	vst v63  }
0xd1: {  	s0 =	sld [smem:$0x7F1]  }
0xd2: {  	[tilespmem:s11], [sflag:$0x6] =	stream.indirect.gather [hbm4b:s3+s7], $0x80, s1, s7, $0xb8;
	[tilespmem:$0x1DC00] =	vst v63  }
0xd3: {  	_ = 	snop  }
0xd4: {  	[tilespmem:s12], [sflag:$0x7] =	stream.indirect.gather [hbm4b:s3+s7], $0x80, s0, s7, $0xb8;
	[tilespmem:$0x1DC00] =	vst v63  }
0xd5: {  	_ =	swait.ge [sflag:s13], $0x4000  }
0xd6: {  	[sflag:s13] =	ssyncset.done $0x0  }
0xd7: {  	[sflag:s13] =	ssyncadd.s32 $0xFFFFC000  }
0xd8: {  	_ =	swait.ge [sflag:s21], $0x4000  }
0xd9: {  	[sflag:s21] =	ssyncset.done $0x0  }
0xda: {  	[sflag:s21] =	ssyncadd.s32 $0xFFFFC000  }
0xdb: {  	_ =	swait.ge [sflag:s22], $0x4000  }
0xdc: {  	[sflag:s22] =	ssyncset.done $0x0  }
0xdd: {  	[sflag:s22] =	ssyncadd.s32 $0xFFFFC000  }
0xde: {  	_ =	swait.ge [sflag:s23], $0x4000  }
0xdf: {  	[sflag:s23] =	ssyncset.done $0x0  }
0xe0: {  	[sflag:s23] =	ssyncadd.s32 $0xFFFFC000  }
0xe1: {  	_ =	swait.ge [sflag:s24], $0x4000  }
0xe2: {  	[sflag:s24] =	ssyncset.done $0x0  }
0xe3: {  	[sflag:s24] =	ssyncadd.s32 $0xFFFFC000  }
0xe4: {  	_ =	swait.ge [sflag:s25], $0x4000  }
0xe5: {  	[sflag:s25] =	ssyncset.done $0x0  }
0xe6: {  	[sflag:s25] =	ssyncadd.s32 $0xFFFFC000  }
0xe7: {  	_ =	swait.ge [sflag:s26], $0x4000  }
0xe8: {  	s0 =	sld [smem:$0x7F2]  }
0xe9: {  	[sflag:s26] =	ssyncset.done $0x0  }
0xea: {  	s1 =	sld [smem:$0x7F3];
	[sflag:s26] =	ssyncadd.s32 $0xFFFFC000  }
0xeb: {  	[tilespmem:s5], [sflag:$0x1] =	stream.indirect.gather [hbm4b:s3+s7], $0x80, s0, s7, $0xb8;
	[tilespmem:$0x1DC00] =	vst v63  }
0xec: {  	s0 =	sld [smem:$0x7F4]  }
0xed: {  	[tilespmem:s6], [sflag:$0x2] =	stream.indirect.gather [hbm4b:s3+s7], $0x80, s1, s7, $0xb8;
	[tilespmem:$0x1DC00] =	vst v63  }
0xee: {  	s1 =	sld [smem:$0x7F5]  }
0xef: {  	[tilespmem:s8], [sflag:$0x3] =	stream.indirect.gather [hbm4b:s3+s7], $0x80, s0, s7, $0xb8;
	[tilespmem:$0x1DC00] =	vst v63  }
0xf0: {  	s0 =	sld [smem:$0x7F6]  }
0xf1: {  	[tilespmem:s9], [sflag:$0x4] =	stream.indirect.gather [hbm4b:s3+s7], $0x80, s1, s7, $0xb8;
	[tilespmem:$0x1DC00] =	vst v63  }
0xf2: {  	s1 =	sld [smem:$0x7F7]  }
0xf3: {  	[tilespmem:s10], [sflag:$0x5] =	stream.indirect.gather [hbm4b:s3+s7], $0x80, s0, s7, $0xb8;
	[tilespmem:$0x1DC00] =	vst v63  }
0xf4: {  	s0 =	sld [smem:$0x7F8]  }
0xf5: {  	[tilespmem:s11], [sflag:$0x6] =	stream.indirect.gather [hbm4b:s3+s7], $0x80, s1, s7, $0xb8;
	[tilespmem:$0x1DC00] =	vst v63  }
0xf6: {  	_ = 	snop  }
0xf7: {  	[tilespmem:s12], [sflag:$0x7] =	stream.indirect.gather [hbm4b:s3+s7], $0x80, s0, s7, $0xb8;
	[tilespmem:$0x1DC00] =	vst v63  }
0xf8: {  	_ =	swait.ge [sflag:s13], $0x4000  }
0xf9: {  	[sflag:s13] =	ssyncset.done $0x0  }
0xfa: {  	[sflag:s13] =	ssyncadd.s32 $0xFFFFC000  }
0xfb: {  	_ =	swait.ge [sflag:s21], $0x4000  }
0xfc: {  	[sflag:s21] =	ssyncset.done $0x0  }
0xfd: {  	[sflag:s21] =	ssyncadd.s32 $0xFFFFC000  }
0xfe: {  	_ =	swait.ge [sflag:s22], $0x4000  }
0xff: {  	[sflag:s22] =	ssyncset.done $0x0  }
0x100: {  	[sflag:s22] =	ssyncadd.s32 $0xFFFFC000  }
0x101: {  	_ =	swait.ge [sflag:s23], $0x4000  }
0x102: {  	[sflag:s23] =	ssyncset.done $0x0  }
0x103: {  	[sflag:s23] =	ssyncadd.s32 $0xFFFFC000  }
0x104: {  	_ =	swait.ge [sflag:s24], $0x4000  }
0x105: {  	[sflag:s24] =	ssyncset.done $0x0  }
0x106: {  	[sflag:s24] =	ssyncadd.s32 $0xFFFFC000  }
0x107: {  	_ =	swait.ge [sflag:s25], $0x4000  }
0x108: {  	[sflag:s25] =	ssyncset.done $0x0  }
0x109: {  	[sflag:s25] =	ssyncadd.s32 $0xFFFFC000  }
0x10a: {  	_ =	swait.ge [sflag:s26], $0x4000  }
0x10b: {  	s0 =	sld [smem:$0x7F9]  }
0x10c: {  	[sflag:s26] =	ssyncset.done $0x0  }
0x10d: {  	s1 =	sld [smem:$0x7FA];
	[sflag:s26] =	ssyncadd.s32 $0xFFFFC000  }
0x10e: {  	[tilespmem:s5], [sflag:$0x1] =	stream.indirect.gather [hbm4b:s3+s7], $0x80, s0, s7, $0xb8;
	[tilespmem:$0x1DC00] =	vst v63  }
0x10f: {  	s0 =	sld [smem:$0x7FB]  }
0x110: {  	[tilespmem:s6], [sflag:$0x2] =	stream.indirect.gather [hbm4b:s3+s7], $0x80, s1, s7, $0xb8;
	[tilespmem:$0x1DC00] =	vst v63  }
0x111: {  	s1 =	sld [smem:$0x7FC]  }
0x112: {  	[tilespmem:s8], [sflag:$0x3] =	stream.indirect.gather [hbm4b:s3+s7], $0x80, s0, s7, $0xb8;
	[tilespmem:$0x1DC00] =	vst v63  }
0x113: {  	s0 =	sld [smem:$0x7FD]  }
0x114: {  	[tilespmem:s9], [sflag:$0x4] =	stream.indirect.gather [hbm4b:s3+s7], $0x80, s1, s7, $0xb8;
	[tilespmem:$0x1DC00] =	vst v63  }
0x115: {  	_ = 	snop  }
0x116: {  	[tilespmem:s10], [sflag:$0x5] =	stream.indirect.gather [hbm4b:s3+s7], $0x80, s0, s7, $0xb8;
	[tilespmem:$0x1DC00] =	vst v63  }
0x117: {  	s1 =	simm.s32 $0x1780  }
0x118: {  	[tilespmem:s11], [sflag:$0x6] =	stream.indirect.gather [hbm4b:s3+s7], $0x80, s1, s7, $0xb8;
	[tilespmem:$0x1DC00] =	vst v63  }
0x119: {  	_ = 	snop  }
0x11a: {  	[tilespmem:s12], [sflag:$0x7] =	stream.indirect.gather [hbm4b:s3+s7], $0x80, s30, s7, $0xb8;
	[tilespmem:$0x1DC00] =	vst v63  }
0x11b: {  	_ =	swait.ge [sflag:s13], $0x4000  }
0x11c: {  	[sflag:s13] =	ssyncset.done $0x0  }
0x11d: {  	[sflag:s13] =	ssyncadd.s32 $0xFFFFC000  }
0x11e: {  	_ =	swait.ge [sflag:s21], $0x4000  }
0x11f: {  	[sflag:s21] =	ssyncset.done $0x0  }
0x120: {  	[sflag:s21] =	ssyncadd.s32 $0xFFFFC000  }
0x121: {  	_ =	swait.ge [sflag:s22], $0x4000  }
0x122: {  	[sflag:s22] =	ssyncset.done $0x0  }
0x123: {  	[sflag:s22] =	ssyncadd.s32 $0xFFFFC000  }
0x124: {  	_ =	swait.ge [sflag:s23], $0x4000  }
0x125: {  	[sflag:s23] =	ssyncset.done $0x0  }
0x126: {  	[sflag:s23] =	ssyncadd.s32 $0xFFFFC000  }
0x127: {  	_ =	swait.ge [sflag:s24], $0x4000  }
0x128: {  	[sflag:s24] =	ssyncset.done $0x0  }
0x129: {  	[sflag:s24] =	ssyncadd.s32 $0xFFFFC000  }
0x12a: {  	_ =	swait.ge [sflag:s25], $0x4000  }
0x12b: {  	[sflag:s25] =	ssyncset.done $0x0  }
0x12c: {  	[sflag:s25] =	ssyncadd.s32 $0xFFFFC000  }
0x12d: {  	_ =	swait.ge [sflag:s26], $0x4000  }
0x12e: {  	[sflag:s26] =	ssyncset.done $0x0  }
0x12f: {  	[sflag:s26] =	ssyncadd.s32 $0xFFFFC000  }
0x130: {  	[tilespmem:s5], [sflag:$0x1] =	stream.indirect.gather [hbm4b:s3+s7], $0x80, s29, s7, $0xb8;
	[tilespmem:$0x1DC00] =	vst v63  }
0x131: {  	_ =	swait.ge [sflag:s13], $0x4000  }
0x132: {  	[sflag:s13] =	ssyncset.done $0x0  }
0x133: {  	[sflag:s13] =	ssyncadd.s32 $0xFFFFC000  }
0x134: {  	[hbm4b:s4+s2] =	stream.linear.scatter [tilespmem:s5], [sflag:$0x8], $0x4000, $0x38;
	[tilespmem:$0x1DC00] =	vst v63  }
0x135: {  	s0 =	rddreg [dreg:$0x5]  }
0x136: {  	[hbm4b:s0+s2] =	stream.linear.scatter [tilespmem:s6], [sflag:$0x9], $0x4000, $0x38;
	[tilespmem:$0x1DC00] =	vst v63  }
0x137: {  	s1 =	rddreg [dreg:$0x6]  }
0x138: {  	[hbm4b:s1+s2] =	stream.linear.scatter [tilespmem:s8], [sflag:$0xA], $0x4000, $0x38;
	[tilespmem:$0x1DC00] =	vst v63  }
0x139: {  	s0 =	rddreg [dreg:$0x7]  }
0x13a: {  	[hbm4b:s0+s2] =	stream.linear.scatter [tilespmem:s9], [sflag:$0xB], $0x4000, $0x38;
	[tilespmem:$0x1DC00] =	vst v63  }
0x13b: {  	s1 =	rddreg [dreg:$0x8]  }
0x13c: {  	[hbm4b:s1+s2] =	stream.linear.scatter [tilespmem:s10], [sflag:$0xC], $0x4000, $0x38;
	[tilespmem:$0x1DC00] =	vst v63  }
0x13d: {  	s0 =	rddreg [dreg:$0x9]  }
0x13e: {  	[hbm4b:s0+s2] =	stream.linear.scatter [tilespmem:s11], [sflag:$0xD], $0x4000, $0x38;
	[tilespmem:$0x1DC00] =	vst v63  }
0x13f: {  	s1 =	rddreg [dreg:$0xa]  }
0x140: {  	[hbm4b:s1+s2] =	stream.linear.scatter [tilespmem:s12], [sflag:$0xE], $0x4000, $0x38;
	[tilespmem:$0x1DC00] =	vst v63  }
0x141: {  	_ =	swait.ge [sflag:s19], $0x4000  }
0x142: {  	[sflag:s19] =	ssyncset.done $0x0  }
0x143: {  	[sflag:s19] =	ssyncadd.s32 $0xFFFFC000  }
0x144: {  	_ =	swait.ge [sflag:s20], $0x4000  }
0x145: {  	[sflag:s20] =	ssyncset.done $0x0  }
0x146: {  	[sflag:s20] =	ssyncadd.s32 $0xFFFFC000  }
0x147: {  	_ =	swait.ge [sflag:s18], $0x4000  }
0x148: {  	[sflag:s18] =	ssyncset.done $0x0  }
0x149: {  	[sflag:s18] =	ssyncadd.s32 $0xFFFFC000  }
0x14a: {  	_ =	swait.ge [sflag:s17], $0x4000  }
0x14b: {  	[sflag:s17] =	ssyncset.done $0x0  }
0x14c: {  	[sflag:s17] =	ssyncadd.s32 $0xFFFFC000  }
0x14d: {  	_ =	swait.ge [sflag:s16], $0x4000  }
0x14e: {  	[sflag:s16] =	ssyncset.done $0x0  }
0x14f: {  	p1 =	sne.s32 s28, $0x1;
	[sflag:s16] =	ssyncadd.s32 $0xFFFFC000  }
.Ltmp1:
0x150: {  	_ =	swait.ge [sflag:s15], $0x4000;
	(pc) =	sbr.rel @!p1 .LBB2_3-.Ltmp1, $4  }
0x151: {  	[sflag:s15] =	ssyncset.done $0x0  }
0x152: {  	[sflag:s15] =	ssyncadd.s32 $0xFFFFC000  }
0x153: {  	p0 =	por $0x1, $0x1;
	_ =	swait.ge [sflag:s14], $0x4000  }
0x154: {  	s1 =	sadd.s32 $0xFFFFFFFF, s28;
	s0 =	rddreg [dreg:$0x4];
	[sflag:s14] =	ssyncset.done $0x0  }
.LBB2_4:
0x155: {  	[sflag:s14] =	ssyncadd.s32 $0xFFFFC000  }
0x156: {  	[tilespmem:s2], [sflag:$0xF] =	stream.linear.gather [hbm4b:s0+s2], $0x1900, $0x38;
	[tilespmem:$0x1DC00] =	vst v63  }
0x157: {  	_ =	swait.ge [sflag:s31], $0x1900  }
0x158: {  	[sflag:s31] =	ssyncset.done $0x0  }
0x159: {  	[sflag:s31] =	ssyncadd.s32 $0xFFFFE700  }
0x15a: {  	[tilespmem:s5], [sflag:$0x1] =	stream.indirect.gather [hbm4b:s3+s7], $0x80, s2, s7, $0xb8;
	[tilespmem:$0x1DC00] =	vst v63  }
0x15b: {  	_ = 	snop  }
0x15c: {  	[tilespmem:s6], [sflag:$0x2] =	stream.indirect.gather [hbm4b:s3+s7], $0x80, s7, s7, $0xb8;
	[tilespmem:$0x1DC00] =	vst v63  }
0x15d: {  	s0 =	rddreg [dreg:$0xb]  }
0x15e: {  	[tilespmem:s8], [sflag:$0x3] =	stream.indirect.gather [hbm4b:s3+s7], $0x80, s0, s7, $0xb8;
	[tilespmem:$0x1DC00] =	vst v63  }
0x15f: {  	s28 =	rddreg [dreg:$0xc]  }
0x160: {  	[tilespmem:s9], [sflag:$0x4] =	stream.indirect.gather [hbm4b:s3+s7], $0x80, s28, s7, $0xb8;
	[tilespmem:$0x1DC00] =	vst v63  }
0x161: {  	s0 =	rddreg [dreg:$0xd]  }
0x162: {  	[tilespmem:s10], [sflag:$0x5] =	stream.indirect.gather [hbm4b:s3+s7], $0x80, s0, s7, $0xb8;
	[tilespmem:$0x1DC00] =	vst v63  }
0x163: {  	s28 =	rddreg [dreg:$0xe]  }
0x164: {  	[tilespmem:s11], [sflag:$0x6] =	stream.indirect.gather [hbm4b:s3+s7], $0x80, s28, s7, $0xb8;
	[tilespmem:$0x1DC00] =	vst v63  }
0x165: {  	s0 =	rddreg [dreg:$0xf]  }
0x166: {  	[tilespmem:s12], [sflag:$0x7] =	stream.indirect.gather [hbm4b:s3+s7], $0x80, s0, s7, $0xb8;
	[tilespmem:$0x1DC00] =	vst v63  }
0x167: {  	_ =	swait.ge [sflag:s13], $0x4000  }
0x168: {  	[sflag:s13] =	ssyncset.done $0x0  }
0x169: {  	[sflag:s13] =	ssyncadd.s32 $0xFFFFC000  }
0x16a: {  	_ =	swait.ge [sflag:s21], $0x4000  }
0x16b: {  	[sflag:s21] =	ssyncset.done $0x0  }
0x16c: {  	[sflag:s21] =	ssyncadd.s32 $0xFFFFC000  }
0x16d: {  	_ =	swait.ge [sflag:s22], $0x4000  }
0x16e: {  	[sflag:s22] =	ssyncset.done $0x0  }
0x16f: {  	[sflag:s22] =	ssyncadd.s32 $0xFFFFC000  }
0x170: {  	_ =	swait.ge [sflag:s23], $0x4000  }
0x171: {  	[sflag:s23] =	ssyncset.done $0x0  }
0x172: {  	[sflag:s23] =	ssyncadd.s32 $0xFFFFC000  }
0x173: {  	_ =	swait.ge [sflag:s24], $0x4000  }
0x174: {  	[sflag:s24] =	ssyncset.done $0x0  }
0x175: {  	[sflag:s24] =	ssyncadd.s32 $0xFFFFC000  }
0x176: {  	_ =	swait.ge [sflag:s25], $0x4000  }
0x177: {  	[sflag:s25] =	ssyncset.done $0x0  }
0x178: {  	[sflag:s25] =	ssyncadd.s32 $0xFFFFC000  }
0x179: {  	_ =	swait.ge [sflag:s26], $0x4000  }
0x17a: {  	[sflag:s26] =	ssyncset.done $0x0  }
0x17b: {  	s0 =	rddreg [dreg:$0x10];
	[sflag:s26] =	ssyncadd.s32 $0xFFFFC000  }
0x17c: {  	[tilespmem:s5], [sflag:$0x1] =	stream.indirect.gather [hbm4b:s3+s7], $0x80, s0, s7, $0xb8;
	[tilespmem:$0x1DC00] =	vst v63  }
0x17d: {  	s28 =	rddreg [dreg:$0x11]  }
0x17e: {  	[tilespmem:s6], [sflag:$0x2] =	stream.indirect.gather [hbm4b:s3+s7], $0x80, s28, s7, $0xb8;
	[tilespmem:$0x1DC00] =	vst v63  }
0x17f: {  	s0 =	rddreg [dreg:$0x12]  }
0x180: {  	[tilespmem:s8], [sflag:$0x3] =	stream.indirect.gather [hbm4b:s3+s7], $0x80, s0, s7, $0xb8;
	[tilespmem:$0x1DC00] =	vst v63  }
0x181: {  	s28 =	rddreg [dreg:$0x13]  }
0x182: {  	[tilespmem:s9], [sflag:$0x4] =	stream.indirect.gather [hbm4b:s3+s7], $0x80, s28, s7, $0xb8;
	[tilespmem:$0x1DC00] =	vst v63  }
0x183: {  	s0 =	rddreg [dreg:$0x14]  }
0x184: {  	[tilespmem:s10], [sflag:$0x5] =	stream.indirect.gather [hbm4b:s3+s7], $0x80, s0, s7, $0xb8;
	[tilespmem:$0x1DC00] =	vst v63  }
0x185: {  	s28 =	rddreg [dreg:$0x15]  }
0x186: {  	[tilespmem:s11], [sflag:$0x6] =	stream.indirect.gather [hbm4b:s3+s7], $0x80, s28, s7, $0xb8;
	[tilespmem:$0x1DC00] =	vst v63  }
0x187: {  	s0 =	rddreg [dreg:$0x16]  }
0x188: {  	[tilespmem:s12], [sflag:$0x7] =	stream.indirect.gather [hbm4b:s3+s7], $0x80, s0, s7, $0xb8;
	[tilespmem:$0x1DC00] =	vst v63  }
0x189: {  	_ =	swait.ge [sflag:s13], $0x4000  }
0x18a: {  	[sflag:s13] =	ssyncset.done $0x0  }
0x18b: {  	[sflag:s13] =	ssyncadd.s32 $0xFFFFC000  }
0x18c: {  	_ =	swait.ge [sflag:s21], $0x4000  }
0x18d: {  	[sflag:s21] =	ssyncset.done $0x0  }
0x18e: {  	[sflag:s21] =	ssyncadd.s32 $0xFFFFC000  }
0x18f: {  	_ =	swait.ge [sflag:s22], $0x4000  }
0x190: {  	[sflag:s22] =	ssyncset.done $0x0  }
0x191: {  	[sflag:s22] =	ssyncadd.s32 $0xFFFFC000  }
0x192: {  	_ =	swait.ge [sflag:s23], $0x4000  }
0x193: {  	[sflag:s23] =	ssyncset.done $0x0  }
0x194: {  	[sflag:s23] =	ssyncadd.s32 $0xFFFFC000  }
0x195: {  	_ =	swait.ge [sflag:s24], $0x4000  }
0x196: {  	[sflag:s24] =	ssyncset.done $0x0  }
0x197: {  	[sflag:s24] =	ssyncadd.s32 $0xFFFFC000  }
0x198: {  	_ =	swait.ge [sflag:s25], $0x4000  }
0x199: {  	[sflag:s25] =	ssyncset.done $0x0  }
0x19a: {  	[sflag:s25] =	ssyncadd.s32 $0xFFFFC000  }
0x19b: {  	_ =	swait.ge [sflag:s26], $0x4000  }
0x19c: {  	[sflag:s26] =	ssyncset.done $0x0  }
0x19d: {  	s0 =	rddreg [dreg:$0x17];
	[sflag:s26] =	ssyncadd.s32 $0xFFFFC000  }
0x19e: {  	[tilespmem:s5], [sflag:$0x1] =	stream.indirect.gather [hbm4b:s3+s7], $0x80, s0, s7, $0xb8;
	[tilespmem:$0x1DC00] =	vst v63  }
0x19f: {  	s28 =	rddreg [dreg:$0x18]  }
0x1a0: {  	[tilespmem:s6], [sflag:$0x2] =	stream.indirect.gather [hbm4b:s3+s7], $0x80, s28, s7, $0xb8;
	[tilespmem:$0x1DC00] =	vst v63  }
0x1a1: {  	s0 =	rddreg [dreg:$0x19]  }
0x1a2: {  	[tilespmem:s8], [sflag:$0x3] =	stream.indirect.gather [hbm4b:s3+s7], $0x80, s0, s7, $0xb8;
	[tilespmem:$0x1DC00] =	vst v63  }
0x1a3: {  	s28 =	rddreg [dreg:$0x1a]  }
0x1a4: {  	[tilespmem:s9], [sflag:$0x4] =	stream.indirect.gather [hbm4b:s3+s7], $0x80, s28, s7, $0xb8;
	[tilespmem:$0x1DC00] =	vst v63  }
0x1a5: {  	s0 =	rddreg [dreg:$0x1b]  }
0x1a6: {  	[tilespmem:s10], [sflag:$0x5] =	stream.indirect.gather [hbm4b:s3+s7], $0x80, s0, s7, $0xb8;
	[tilespmem:$0x1DC00] =	vst v63  }
0x1a7: {  	s28 =	rddreg [dreg:$0x1c]  }
0x1a8: {  	[tilespmem:s11], [sflag:$0x6] =	stream.indirect.gather [hbm4b:s3+s7], $0x80, s28, s7, $0xb8;
	[tilespmem:$0x1DC00] =	vst v63  }
0x1a9: {  	s0 =	rddreg [dreg:$0x1d]  }
0x1aa: {  	[tilespmem:s12], [sflag:$0x7] =	stream.indirect.gather [hbm4b:s3+s7], $0x80, s0, s7, $0xb8;
	[tilespmem:$0x1DC00] =	vst v63  }
0x1ab: {  	_ =	swait.ge [sflag:s13], $0x4000  }
0x1ac: {  	[sflag:s13] =	ssyncset.done $0x0  }
0x1ad: {  	[sflag:s13] =	ssyncadd.s32 $0xFFFFC000  }
0x1ae: {  	_ =	swait.ge [sflag:s21], $0x4000  }
0x1af: {  	[sflag:s21] =	ssyncset.done $0x0  }
0x1b0: {  	[sflag:s21] =	ssyncadd.s32 $0xFFFFC000  }
0x1b1: {  	_ =	swait.ge [sflag:s22], $0x4000  }
0x1b2: {  	[sflag:s22] =	ssyncset.done $0x0  }
0x1b3: {  	[sflag:s22] =	ssyncadd.s32 $0xFFFFC000  }
0x1b4: {  	_ =	swait.ge [sflag:s23], $0x4000  }
0x1b5: {  	[sflag:s23] =	ssyncset.done $0x0  }
0x1b6: {  	[sflag:s23] =	ssyncadd.s32 $0xFFFFC000  }
0x1b7: {  	_ =	swait.ge [sflag:s24], $0x4000  }
0x1b8: {  	[sflag:s24] =	ssyncset.done $0x0  }
0x1b9: {  	[sflag:s24] =	ssyncadd.s32 $0xFFFFC000  }
0x1ba: {  	_ =	swait.ge [sflag:s25], $0x4000  }
0x1bb: {  	[sflag:s25] =	ssyncset.done $0x0  }
0x1bc: {  	[sflag:s25] =	ssyncadd.s32 $0xFFFFC000  }
0x1bd: {  	_ =	swait.ge [sflag:s26], $0x4000  }
0x1be: {  	s0 =	rddreg [dreg:$0x1e];
	[sflag:s26] =	ssyncset.done $0x0  }
0x1bf: {  	s28 =	rddreg [dreg:$0x1f];
	[sflag:s26] =	ssyncadd.s32 $0xFFFFC000  }
0x1c0: {  	[tilespmem:s5], [sflag:$0x1] =	stream.indirect.gather [hbm4b:s3+s7], $0x80, s0, s7, $0xb8;
	[tilespmem:$0x1DC00] =	vst v63  }
0x1c1: {  	s0 =	sld [smem:$0x7E6]  }
0x1c2: {  	[tilespmem:s6], [sflag:$0x2] =	stream.indirect.gather [hbm4b:s3+s7], $0x80, s28, s7, $0xb8;
	[tilespmem:$0x1DC00] =	vst v63  }
0x1c3: {  	s28 =	sld [smem:$0x7E7]  }
0x1c4: {  	[tilespmem:s8], [sflag:$0x3] =	stream.indirect.gather [hbm4b:s3+s7], $0x80, s0, s7, $0xb8;
	[tilespmem:$0x1DC00] =	vst v63  }
0x1c5: {  	s0 =	sld [smem:$0x7E8]  }
0x1c6: {  	[tilespmem:s9], [sflag:$0x4] =	stream.indirect.gather [hbm4b:s3+s7], $0x80, s28, s7, $0xb8;
	[tilespmem:$0x1DC00] =	vst v63  }
0x1c7: {  	s28 =	sld [smem:$0x7E9]  }
0x1c8: {  	[tilespmem:s10], [sflag:$0x5] =	stream.indirect.gather [hbm4b:s3+s7], $0x80, s0, s7, $0xb8;
	[tilespmem:$0x1DC00] =	vst v63  }
0x1c9: {  	s0 =	sld [smem:$0x7EA]  }
0x1ca: {  	[tilespmem:s11], [sflag:$0x6] =	stream.indirect.gather [hbm4b:s3+s7], $0x80, s28, s7, $0xb8;
	[tilespmem:$0x1DC00] =	vst v63  }
0x1cb: {  	_ = 	snop  }
0x1cc: {  	[tilespmem:s12], [sflag:$0x7] =	stream.indirect.gather [hbm4b:s3+s7], $0x80, s0, s7, $0xb8;
	[tilespmem:$0x1DC00] =	vst v63  }
0x1cd: {  	_ =	swait.ge [sflag:s13], $0x4000  }
0x1ce: {  	[sflag:s13] =	ssyncset.done $0x0  }
0x1cf: {  	[sflag:s13] =	ssyncadd.s32 $0xFFFFC000  }
0x1d0: {  	_ =	swait.ge [sflag:s21], $0x4000  }
0x1d1: {  	[sflag:s21] =	ssyncset.done $0x0  }
0x1d2: {  	[sflag:s21] =	ssyncadd.s32 $0xFFFFC000  }
0x1d3: {  	_ =	swait.ge [sflag:s22], $0x4000  }
0x1d4: {  	[sflag:s22] =	ssyncset.done $0x0  }
0x1d5: {  	[sflag:s22] =	ssyncadd.s32 $0xFFFFC000  }
0x1d6: {  	_ =	swait.ge [sflag:s23], $0x4000  }
0x1d7: {  	[sflag:s23] =	ssyncset.done $0x0  }
0x1d8: {  	[sflag:s23] =	ssyncadd.s32 $0xFFFFC000  }
0x1d9: {  	_ =	swait.ge [sflag:s24], $0x4000  }
0x1da: {  	[sflag:s24] =	ssyncset.done $0x0  }
0x1db: {  	[sflag:s24] =	ssyncadd.s32 $0xFFFFC000  }
0x1dc: {  	_ =	swait.ge [sflag:s25], $0x4000  }
0x1dd: {  	[sflag:s25] =	ssyncset.done $0x0  }
0x1de: {  	[sflag:s25] =	ssyncadd.s32 $0xFFFFC000  }
0x1df: {  	_ =	swait.ge [sflag:s26], $0x4000  }
0x1e0: {  	s0 =	sld [smem:$0x7EB]  }
0x1e1: {  	[sflag:s26] =	ssyncset.done $0x0  }
0x1e2: {  	s28 =	sld [smem:$0x7EC];
	[sflag:s26] =	ssyncadd.s32 $0xFFFFC000  }
0x1e3: {  	[tilespmem:s5], [sflag:$0x1] =	stream.indirect.gather [hbm4b:s3+s7], $0x80, s0, s7, $0xb8;
	[tilespmem:$0x1DC00] =	vst v63  }
0x1e4: {  	s0 =	sld [smem:$0x7ED]  }
0x1e5: {  	[tilespmem:s6], [sflag:$0x2] =	stream.indirect.gather [hbm4b:s3+s7], $0x80, s28, s7, $0xb8;
	[tilespmem:$0x1DC00] =	vst v63  }
0x1e6: {  	s28 =	sld [smem:$0x7EE]  }
0x1e7: {  	[tilespmem:s8], [sflag:$0x3] =	stream.indirect.gather [hbm4b:s3+s7], $0x80, s0, s7, $0xb8;
	[tilespmem:$0x1DC00] =	vst v63  }
0x1e8: {  	s0 =	sld [smem:$0x7EF]  }
0x1e9: {  	[tilespmem:s9], [sflag:$0x4] =	stream.indirect.gather [hbm4b:s3+s7], $0x80, s28, s7, $0xb8;
	[tilespmem:$0x1DC00] =	vst v63  }
0x1ea: {  	s28 =	sld [smem:$0x7F0]  }
0x1eb: {  	[tilespmem:s10], [sflag:$0x5] =	stream.indirect.gather [hbm4b:s3+s7], $0x80, s0, s7, $0xb8;
	[tilespmem:$0x1DC00] =	vst v63  }
0x1ec: {  	s0 =	sld [smem:$0x7F1]  }
0x1ed: {  	[tilespmem:s11], [sflag:$0x6] =	stream.indirect.gather [hbm4b:s3+s7], $0x80, s28, s7, $0xb8;
	[tilespmem:$0x1DC00] =	vst v63  }
0x1ee: {  	_ = 	snop  }
0x1ef: {  	[tilespmem:s12], [sflag:$0x7] =	stream.indirect.gather [hbm4b:s3+s7], $0x80, s0, s7, $0xb8;
	[tilespmem:$0x1DC00] =	vst v63  }
0x1f0: {  	_ =	swait.ge [sflag:s13], $0x4000  }
0x1f1: {  	[sflag:s13] =	ssyncset.done $0x0  }
0x1f2: {  	[sflag:s13] =	ssyncadd.s32 $0xFFFFC000  }
0x1f3: {  	_ =	swait.ge [sflag:s21], $0x4000  }
0x1f4: {  	[sflag:s21] =	ssyncset.done $0x0  }
0x1f5: {  	[sflag:s21] =	ssyncadd.s32 $0xFFFFC000  }
0x1f6: {  	_ =	swait.ge [sflag:s22], $0x4000  }
0x1f7: {  	[sflag:s22] =	ssyncset.done $0x0  }
0x1f8: {  	[sflag:s22] =	ssyncadd.s32 $0xFFFFC000  }
0x1f9: {  	_ =	swait.ge [sflag:s23], $0x4000  }
0x1fa: {  	[sflag:s23] =	ssyncset.done $0x0  }
0x1fb: {  	[sflag:s23] =	ssyncadd.s32 $0xFFFFC000  }
0x1fc: {  	_ =	swait.ge [sflag:s24], $0x4000  }
0x1fd: {  	[sflag:s24] =	ssyncset.done $0x0  }
0x1fe: {  	[sflag:s24] =	ssyncadd.s32 $0xFFFFC000  }
0x1ff: {  	_ =	swait.ge [sflag:s25], $0x4000  }
0x200: {  	[sflag:s25] =	ssyncset.done $0x0  }
0x201: {  	[sflag:s25] =	ssyncadd.s32 $0xFFFFC000  }
0x202: {  	_ =	swait.ge [sflag:s26], $0x4000  }
0x203: {  	s0 =	sld [smem:$0x7F2]  }
0x204: {  	[sflag:s26] =	ssyncset.done $0x0  }
0x205: {  	s28 =	sld [smem:$0x7F3];
	[sflag:s26] =	ssyncadd.s32 $0xFFFFC000  }
0x206: {  	[tilespmem:s5], [sflag:$0x1] =	stream.indirect.gather [hbm4b:s3+s7], $0x80, s0, s7, $0xb8;
	[tilespmem:$0x1DC00] =	vst v63  }
0x207: {  	s0 =	sld [smem:$0x7F4]  }
0x208: {  	[tilespmem:s6], [sflag:$0x2] =	stream.indirect.gather [hbm4b:s3+s7], $0x80, s28, s7, $0xb8;
	[tilespmem:$0x1DC00] =	vst v63  }
0x209: {  	s28 =	sld [smem:$0x7F5]  }
0x20a: {  	[tilespmem:s8], [sflag:$0x3] =	stream.indirect.gather [hbm4b:s3+s7], $0x80, s0, s7, $0xb8;
	[tilespmem:$0x1DC00] =	vst v63  }
0x20b: {  	s0 =	sld [smem:$0x7F6]  }
0x20c: {  	[tilespmem:s9], [sflag:$0x4] =	stream.indirect.gather [hbm4b:s3+s7], $0x80, s28, s7, $0xb8;
	[tilespmem:$0x1DC00] =	vst v63  }
0x20d: {  	s28 =	sld [smem:$0x7F7]  }
0x20e: {  	[tilespmem:s10], [sflag:$0x5] =	stream.indirect.gather [hbm4b:s3+s7], $0x80, s0, s7, $0xb8;
	[tilespmem:$0x1DC00] =	vst v63  }
0x20f: {  	s0 =	sld [smem:$0x7F8]  }
0x210: {  	[tilespmem:s11], [sflag:$0x6] =	stream.indirect.gather [hbm4b:s3+s7], $0x80, s28, s7, $0xb8;
	[tilespmem:$0x1DC00] =	vst v63  }
0x211: {  	_ = 	snop  }
0x212: {  	[tilespmem:s12], [sflag:$0x7] =	stream.indirect.gather [hbm4b:s3+s7], $0x80, s0, s7, $0xb8;
	[tilespmem:$0x1DC00] =	vst v63  }
0x213: {  	_ =	swait.ge [sflag:s13], $0x4000  }
0x214: {  	[sflag:s13] =	ssyncset.done $0x0  }
0x215: {  	[sflag:s13] =	ssyncadd.s32 $0xFFFFC000  }
0x216: {  	_ =	swait.ge [sflag:s21], $0x4000  }
0x217: {  	[sflag:s21] =	ssyncset.done $0x0  }
0x218: {  	[sflag:s21] =	ssyncadd.s32 $0xFFFFC000  }
0x219: {  	_ =	swait.ge [sflag:s22], $0x4000  }
0x21a: {  	[sflag:s22] =	ssyncset.done $0x0  }
0x21b: {  	[sflag:s22] =	ssyncadd.s32 $0xFFFFC000  }
0x21c: {  	_ =	swait.ge [sflag:s23], $0x4000  }
0x21d: {  	[sflag:s23] =	ssyncset.done $0x0  }
0x21e: {  	[sflag:s23] =	ssyncadd.s32 $0xFFFFC000  }
0x21f: {  	_ =	swait.ge [sflag:s24], $0x4000  }
0x220: {  	[sflag:s24] =	ssyncset.done $0x0  }
0x221: {  	[sflag:s24] =	ssyncadd.s32 $0xFFFFC000  }
0x222: {  	_ =	swait.ge [sflag:s25], $0x4000  }
0x223: {  	[sflag:s25] =	ssyncset.done $0x0  }
0x224: {  	[sflag:s25] =	ssyncadd.s32 $0xFFFFC000  }
0x225: {  	_ =	swait.ge [sflag:s26], $0x4000  }
0x226: {  	s0 =	sld [smem:$0x7F9]  }
0x227: {  	[sflag:s26] =	ssyncset.done $0x0  }
0x228: {  	s28 =	sld [smem:$0x7FA];
	[sflag:s26] =	ssyncadd.s32 $0xFFFFC000  }
0x229: {  	[tilespmem:s5], [sflag:$0x1] =	stream.indirect.gather [hbm4b:s3+s7], $0x80, s0, s7, $0xb8;
	[tilespmem:$0x1DC00] =	vst v63  }
0x22a: {  	s0 =	sld [smem:$0x7FB]  }
0x22b: {  	[tilespmem:s6], [sflag:$0x2] =	stream.indirect.gather [hbm4b:s3+s7], $0x80, s28, s7, $0xb8;
	[tilespmem:$0x1DC00] =	vst v63  }
0x22c: {  	s28 =	sld [smem:$0x7FC]  }
0x22d: {  	[tilespmem:s8], [sflag:$0x3] =	stream.indirect.gather [hbm4b:s3+s7], $0x80, s0, s7, $0xb8;
	[tilespmem:$0x1DC00] =	vst v63  }
0x22e: {  	s0 =	sld [smem:$0x7FD]  }
0x22f: {  	[tilespmem:s9], [sflag:$0x4] =	stream.indirect.gather [hbm4b:s3+s7], $0x80, s28, s7, $0xb8;
	[tilespmem:$0x1DC00] =	vst v63  }
0x230: {  	_ = 	snop  }
0x231: {  	[tilespmem:s10], [sflag:$0x5] =	stream.indirect.gather [hbm4b:s3+s7], $0x80, s0, s7, $0xb8;
	[tilespmem:$0x1DC00] =	vst v63  }
0x232: {  	s28 =	simm.s32 $0x1780  }
0x233: {  	[tilespmem:s11], [sflag:$0x6] =	stream.indirect.gather [hbm4b:s3+s7], $0x80, s28, s7, $0xb8;
	[tilespmem:$0x1DC00] =	vst v63  }
0x234: {  	_ = 	snop  }
0x235: {  	[tilespmem:s12], [sflag:$0x7] =	stream.indirect.gather [hbm4b:s3+s7], $0x80, s30, s7, $0xb8;
	[tilespmem:$0x1DC00] =	vst v63  }
0x236: {  	_ =	swait.ge [sflag:s13], $0x4000  }
0x237: {  	[sflag:s13] =	ssyncset.done $0x0  }
0x238: {  	[sflag:s13] =	ssyncadd.s32 $0xFFFFC000  }
0x239: {  	_ =	swait.ge [sflag:s21], $0x4000  }
0x23a: {  	[sflag:s21] =	ssyncset.done $0x0  }
0x23b: {  	[sflag:s21] =	ssyncadd.s32 $0xFFFFC000  }
0x23c: {  	_ =	swait.ge [sflag:s22], $0x4000  }
0x23d: {  	[sflag:s22] =	ssyncset.done $0x0  }
0x23e: {  	[sflag:s22] =	ssyncadd.s32 $0xFFFFC000  }
0x23f: {  	_ =	swait.ge [sflag:s23], $0x4000  }
0x240: {  	[sflag:s23] =	ssyncset.done $0x0  }
0x241: {  	[sflag:s23] =	ssyncadd.s32 $0xFFFFC000  }
0x242: {  	_ =	swait.ge [sflag:s24], $0x4000  }
0x243: {  	[sflag:s24] =	ssyncset.done $0x0  }
0x244: {  	[sflag:s24] =	ssyncadd.s32 $0xFFFFC000  }
0x245: {  	_ =	swait.ge [sflag:s25], $0x4000  }
0x246: {  	[sflag:s25] =	ssyncset.done $0x0  }
0x247: {  	[sflag:s25] =	ssyncadd.s32 $0xFFFFC000  }
0x248: {  	_ =	swait.ge [sflag:s26], $0x4000  }
0x249: {  	[sflag:s26] =	ssyncset.done $0x0  }
0x24a: {  	[sflag:s26] =	ssyncadd.s32 $0xFFFFC000  }
0x24b: {  	[tilespmem:s5], [sflag:$0x1] =	stream.indirect.gather [hbm4b:s3+s7], $0x80, s29, s7, $0xb8;
	[tilespmem:$0x1DC00] =	vst v63  }
0x24c: {  	_ =	swait.ge [sflag:s13], $0x4000  }
0x24d: {  	[sflag:s13] =	ssyncset.done $0x0  }
0x24e: {  	[sflag:s13] =	ssyncadd.s32 $0xFFFFC000  }
0x24f: {  	[hbm4b:s4+s2] =	stream.linear.scatter [tilespmem:s5], [sflag:$0x8], $0x4000, $0x38;
	[tilespmem:$0x1DC00] =	vst v63  }
0x250: {  	s0 =	rddreg [dreg:$0x5]  }
0x251: {  	[hbm4b:s0+s2] =	stream.linear.scatter [tilespmem:s6], [sflag:$0x9], $0x4000, $0x38;
	[tilespmem:$0x1DC00] =	vst v63  }
0x252: {  	s28 =	rddreg [dreg:$0x6]  }
0x253: {  	[hbm4b:s28+s2] =	stream.linear.scatter [tilespmem:s8], [sflag:$0xA], $0x4000, $0x38;
	[tilespmem:$0x1DC00] =	vst v63  }
0x254: {  	s0 =	rddreg [dreg:$0x7]  }
0x255: {  	[hbm4b:s0+s2] =	stream.linear.scatter [tilespmem:s9], [sflag:$0xB], $0x4000, $0x38;
	[tilespmem:$0x1DC00] =	vst v63  }
0x256: {  	s28 =	rddreg [dreg:$0x8]  }
0x257: {  	[hbm4b:s28+s2] =	stream.linear.scatter [tilespmem:s10], [sflag:$0xC], $0x4000, $0x38;
	[tilespmem:$0x1DC00] =	vst v63  }
0x258: {  	s0 =	rddreg [dreg:$0x9]  }
0x259: {  	[hbm4b:s0+s2] =	stream.linear.scatter [tilespmem:s11], [sflag:$0xD], $0x4000, $0x38;
	[tilespmem:$0x1DC00] =	vst v63  }
0x25a: {  	s28 =	rddreg [dreg:$0xa]  }
0x25b: {  	[hbm4b:s28+s2] =	stream.linear.scatter [tilespmem:s12], [sflag:$0xE], $0x4000, $0x38;
	[tilespmem:$0x1DC00] =	vst v63  }
0x25c: {  	_ =	swait.ge [sflag:s19], $0x4000  }
0x25d: {  	[sflag:s19] =	ssyncset.done $0x0  }
0x25e: {  	[sflag:s19] =	ssyncadd.s32 $0xFFFFC000  }
0x25f: {  	_ =	swait.ge [sflag:s20], $0x4000  }
0x260: {  	[sflag:s20] =	ssyncset.done $0x0  }
0x261: {  	[sflag:s20] =	ssyncadd.s32 $0xFFFFC000  }
0x262: {  	_ =	swait.ge [sflag:s18], $0x4000  }
0x263: {  	[sflag:s18] =	ssyncset.done $0x0  }
0x264: {  	[sflag:s18] =	ssyncadd.s32 $0xFFFFC000  }
0x265: {  	_ =	swait.ge [sflag:s17], $0x4000  }
0x266: {  	[sflag:s17] =	ssyncset.done $0x0  }
0x267: {  	[sflag:s17] =	ssyncadd.s32 $0xFFFFC000  }
0x268: {  	_ =	swait.ge [sflag:s16], $0x4000  }
0x269: {  	[sflag:s16] =	ssyncset.done $0x0  }
0x26a: {  	p1 =	sne.s32 s1, $0x1;
	[sflag:s16] =	ssyncadd.s32 $0xFFFFC000  }
.Ltmp2:
0x26b: {  	_ =	swait.ge [sflag:s15], $0x4000;
	(pc) =	sbr.rel @p1 .LBB2_4-.Ltmp2, $4  }
0x26c: {  	[sflag:s15] =	ssyncset.done $0x0  }
0x26d: {  	[sflag:s15] =	ssyncadd.s32 $0xFFFFC000  }
0x26e: {  	_ =	swait.ge [sflag:s14], $0x4000  }
0x26f: {  	s1 =	sadd.s32 $0xFFFFFFFF, s1;
	s0 =	rddreg [dreg:$0x4];
	[sflag:s14] =	ssyncset.done $0x0  }
0x270: {  	s29 =	simm.s32 $0x1800;
	s30 =	simm.s32 $0x1780;
	s28 =	stileid.u32  }
.LBB2_6:
0x271: {  	[sflag:s14] =	ssyncadd.s32 @p0 $0xFFFFC000  }
0x272: {  	[tilespmem:s2], [sflag:$0xF] =	stream.linear.gather [hbm4b:s0+s2], $0x1900, $0x38;
	[tilespmem:$0x1DC00] =	vst v63  }
0x273: {  	_ =	swait.ge [sflag:s31], $0x1900  }
0x274: {  	[sflag:s31] =	ssyncset.done $0x0  }
0x275: {  	[sflag:s31] =	ssyncadd.s32 $0xFFFFE700  }
0x276: {  	[tilespmem:s5], [sflag:$0x1] =	stream.indirect.gather [hbm4b:s3+s7], $0x80, s2, s7, $0xb8;
	[tilespmem:$0x1DC00] =	vst v63  }
0x277: {  	_ = 	snop  }
0x278: {  	[tilespmem:s6], [sflag:$0x2] =	stream.indirect.gather [hbm4b:s3+s7], $0x80, s7, s7, $0xb8;
	[tilespmem:$0x1DC00] =	vst v63  }
0x279: {  	s31 =	rddreg [dreg:$0xb]  }
0x27a: {  	[tilespmem:s8], [sflag:$0x3] =	stream.indirect.gather [hbm4b:s3+s7], $0x80, s31, s7, $0xb8;
	[tilespmem:$0x1DC00] =	vst v63  }
0x27b: {  	s1 =	rddreg [dreg:$0xc]  }
0x27c: {  	[tilespmem:s9], [sflag:$0x4] =	stream.indirect.gather [hbm4b:s3+s7], $0x80, s1, s7, $0xb8;
	[tilespmem:$0x1DC00] =	vst v63  }
0x27d: {  	s31 =	rddreg [dreg:$0xd]  }
0x27e: {  	[tilespmem:s10], [sflag:$0x5] =	stream.indirect.gather [hbm4b:s3+s7], $0x80, s31, s7, $0xb8;
	[tilespmem:$0x1DC00] =	vst v63  }
0x27f: {  	s1 =	rddreg [dreg:$0xe]  }
0x280: {  	[tilespmem:s11], [sflag:$0x6] =	stream.indirect.gather [hbm4b:s3+s7], $0x80, s1, s7, $0xb8;
	[tilespmem:$0x1DC00] =	vst v63  }
0x281: {  	s31 =	rddreg [dreg:$0xf]  }
0x282: {  	[tilespmem:s12], [sflag:$0x7] =	stream.indirect.gather [hbm4b:s3+s7], $0x80, s31, s7, $0xb8;
	[tilespmem:$0x1DC00] =	vst v63  }
0x283: {  	_ =	swait.ge [sflag:s13], $0x4000  }
0x284: {  	[sflag:s13] =	ssyncset.done $0x0  }
0x285: {  	[sflag:s13] =	ssyncadd.s32 $0xFFFFC000  }
0x286: {  	_ =	swait.ge [sflag:s21], $0x4000  }
0x287: {  	[sflag:s21] =	ssyncset.done $0x0  }
0x288: {  	[sflag:s21] =	ssyncadd.s32 $0xFFFFC000  }
0x289: {  	_ =	swait.ge [sflag:s22], $0x4000  }
0x28a: {  	[sflag:s22] =	ssyncset.done $0x0  }
0x28b: {  	[sflag:s22] =	ssyncadd.s32 $0xFFFFC000  }
0x28c: {  	_ =	swait.ge [sflag:s23], $0x4000  }
0x28d: {  	[sflag:s23] =	ssyncset.done $0x0  }
0x28e: {  	[sflag:s23] =	ssyncadd.s32 $0xFFFFC000  }
0x28f: {  	_ =	swait.ge [sflag:s24], $0x4000  }
0x290: {  	[sflag:s24] =	ssyncset.done $0x0  }
0x291: {  	[sflag:s24] =	ssyncadd.s32 $0xFFFFC000  }
0x292: {  	_ =	swait.ge [sflag:s25], $0x4000  }
0x293: {  	[sflag:s25] =	ssyncset.done $0x0  }
0x294: {  	[sflag:s25] =	ssyncadd.s32 $0xFFFFC000  }
0x295: {  	_ =	swait.ge [sflag:s26], $0x4000  }
0x296: {  	[sflag:s26] =	ssyncset.done $0x0  }
0x297: {  	s31 =	rddreg [dreg:$0x10];
	[sflag:s26] =	ssyncadd.s32 $0xFFFFC000  }
0x298: {  	[tilespmem:s5], [sflag:$0x1] =	stream.indirect.gather [hbm4b:s3+s7], $0x80, s31, s7, $0xb8;
	[tilespmem:$0x1DC00] =	vst v63  }
0x299: {  	s1 =	rddreg [dreg:$0x11]  }
0x29a: {  	[tilespmem:s6], [sflag:$0x2] =	stream.indirect.gather [hbm4b:s3+s7], $0x80, s1, s7, $0xb8;
	[tilespmem:$0x1DC00] =	vst v63  }
0x29b: {  	s31 =	rddreg [dreg:$0x12]  }
0x29c: {  	[tilespmem:s8], [sflag:$0x3] =	stream.indirect.gather [hbm4b:s3+s7], $0x80, s31, s7, $0xb8;
	[tilespmem:$0x1DC00] =	vst v63  }
0x29d: {  	s1 =	rddreg [dreg:$0x13]  }
0x29e: {  	[tilespmem:s9], [sflag:$0x4] =	stream.indirect.gather [hbm4b:s3+s7], $0x80, s1, s7, $0xb8;
	[tilespmem:$0x1DC00] =	vst v63  }
0x29f: {  	s31 =	rddreg [dreg:$0x14]  }
0x2a0: {  	[tilespmem:s10], [sflag:$0x5] =	stream.indirect.gather [hbm4b:s3+s7], $0x80, s31, s7, $0xb8;
	[tilespmem:$0x1DC00] =	vst v63  }
0x2a1: {  	s1 =	rddreg [dreg:$0x15]  }
0x2a2: {  	[tilespmem:s11], [sflag:$0x6] =	stream.indirect.gather [hbm4b:s3+s7], $0x80, s1, s7, $0xb8;
	[tilespmem:$0x1DC00] =	vst v63  }
0x2a3: {  	s31 =	rddreg [dreg:$0x16]  }
0x2a4: {  	[tilespmem:s12], [sflag:$0x7] =	stream.indirect.gather [hbm4b:s3+s7], $0x80, s31, s7, $0xb8;
	[tilespmem:$0x1DC00] =	vst v63  }
0x2a5: {  	_ =	swait.ge [sflag:s13], $0x4000  }
0x2a6: {  	[sflag:s13] =	ssyncset.done $0x0  }
0x2a7: {  	[sflag:s13] =	ssyncadd.s32 $0xFFFFC000  }
0x2a8: {  	_ =	swait.ge [sflag:s21], $0x4000  }
0x2a9: {  	[sflag:s21] =	ssyncset.done $0x0  }
0x2aa: {  	[sflag:s21] =	ssyncadd.s32 $0xFFFFC000  }
0x2ab: {  	_ =	swait.ge [sflag:s22], $0x4000  }
0x2ac: {  	[sflag:s22] =	ssyncset.done $0x0  }
0x2ad: {  	[sflag:s22] =	ssyncadd.s32 $0xFFFFC000  }
0x2ae: {  	_ =	swait.ge [sflag:s23], $0x4000  }
0x2af: {  	[sflag:s23] =	ssyncset.done $0x0  }
0x2b0: {  	[sflag:s23] =	ssyncadd.s32 $0xFFFFC000  }
0x2b1: {  	_ =	swait.ge [sflag:s24], $0x4000  }
0x2b2: {  	[sflag:s24] =	ssyncset.done $0x0  }
0x2b3: {  	[sflag:s24] =	ssyncadd.s32 $0xFFFFC000  }
0x2b4: {  	_ =	swait.ge [sflag:s25], $0x4000  }
0x2b5: {  	[sflag:s25] =	ssyncset.done $0x0  }
0x2b6: {  	[sflag:s25] =	ssyncadd.s32 $0xFFFFC000  }
0x2b7: {  	_ =	swait.ge [sflag:s26], $0x4000  }
0x2b8: {  	[sflag:s26] =	ssyncset.done $0x0  }
0x2b9: {  	s31 =	rddreg [dreg:$0x17];
	[sflag:s26] =	ssyncadd.s32 $0xFFFFC000  }
0x2ba: {  	[tilespmem:s5], [sflag:$0x1] =	stream.indirect.gather [hbm4b:s3+s7], $0x80, s31, s7, $0xb8;
	[tilespmem:$0x1DC00] =	vst v63  }
0x2bb: {  	s1 =	rddreg [dreg:$0x18]  }
0x2bc: {  	[tilespmem:s6], [sflag:$0x2] =	stream.indirect.gather [hbm4b:s3+s7], $0x80, s1, s7, $0xb8;
	[tilespmem:$0x1DC00] =	vst v63  }
0x2bd: {  	s31 =	rddreg [dreg:$0x19]  }
0x2be: {  	[tilespmem:s8], [sflag:$0x3] =	stream.indirect.gather [hbm4b:s3+s7], $0x80, s31, s7, $0xb8;
	[tilespmem:$0x1DC00] =	vst v63  }
0x2bf: {  	s1 =	rddreg [dreg:$0x1a]  }
0x2c0: {  	[tilespmem:s9], [sflag:$0x4] =	stream.indirect.gather [hbm4b:s3+s7], $0x80, s1, s7, $0xb8;
	[tilespmem:$0x1DC00] =	vst v63  }
0x2c1: {  	s31 =	rddreg [dreg:$0x1b]  }
0x2c2: {  	[tilespmem:s10], [sflag:$0x5] =	stream.indirect.gather [hbm4b:s3+s7], $0x80, s31, s7, $0xb8;
	[tilespmem:$0x1DC00] =	vst v63  }
0x2c3: {  	s1 =	rddreg [dreg:$0x1c]  }
0x2c4: {  	[tilespmem:s11], [sflag:$0x6] =	stream.indirect.gather [hbm4b:s3+s7], $0x80, s1, s7, $0xb8;
	[tilespmem:$0x1DC00] =	vst v63  }
0x2c5: {  	s31 =	rddreg [dreg:$0x1d]  }
0x2c6: {  	[tilespmem:s12], [sflag:$0x7] =	stream.indirect.gather [hbm4b:s3+s7], $0x80, s31, s7, $0xb8;
	[tilespmem:$0x1DC00] =	vst v63  }
0x2c7: {  	_ =	swait.ge [sflag:s13], $0x4000  }
0x2c8: {  	[sflag:s13] =	ssyncset.done $0x0  }
0x2c9: {  	[sflag:s13] =	ssyncadd.s32 $0xFFFFC000  }
0x2ca: {  	_ =	swait.ge [sflag:s21], $0x4000  }
0x2cb: {  	[sflag:s21] =	ssyncset.done $0x0  }
0x2cc: {  	[sflag:s21] =	ssyncadd.s32 $0xFFFFC000  }
0x2cd: {  	_ =	swait.ge [sflag:s22], $0x4000  }
0x2ce: {  	[sflag:s22] =	ssyncset.done $0x0  }
0x2cf: {  	[sflag:s22] =	ssyncadd.s32 $0xFFFFC000  }
0x2d0: {  	_ =	swait.ge [sflag:s23], $0x4000  }
0x2d1: {  	[sflag:s23] =	ssyncset.done $0x0  }
0x2d2: {  	[sflag:s23] =	ssyncadd.s32 $0xFFFFC000  }
0x2d3: {  	_ =	swait.ge [sflag:s24], $0x4000  }
0x2d4: {  	[sflag:s24] =	ssyncset.done $0x0  }
0x2d5: {  	[sflag:s24] =	ssyncadd.s32 $0xFFFFC000  }
0x2d6: {  	_ =	swait.ge [sflag:s25], $0x4000  }
0x2d7: {  	[sflag:s25] =	ssyncset.done $0x0  }
0x2d8: {  	[sflag:s25] =	ssyncadd.s32 $0xFFFFC000  }
0x2d9: {  	_ =	swait.ge [sflag:s26], $0x4000  }
0x2da: {  	s31 =	rddreg [dreg:$0x1e];
	[sflag:s26] =	ssyncset.done $0x0  }
0x2db: {  	s1 =	rddreg [dreg:$0x1f];
	[sflag:s26] =	ssyncadd.s32 $0xFFFFC000  }
0x2dc: {  	[tilespmem:s5], [sflag:$0x1] =	stream.indirect.gather [hbm4b:s3+s7], $0x80, s31, s7, $0xb8;
	[tilespmem:$0x1DC00] =	vst v63  }
0x2dd: {  	s31 =	sld [smem:$0x7E6]  }
0x2de: {  	[tilespmem:s6], [sflag:$0x2] =	stream.indirect.gather [hbm4b:s3+s7], $0x80, s1, s7, $0xb8;
	[tilespmem:$0x1DC00] =	vst v63  }
0x2df: {  	s1 =	sld [smem:$0x7E7]  }
0x2e0: {  	[tilespmem:s8], [sflag:$0x3] =	stream.indirect.gather [hbm4b:s3+s7], $0x80, s31, s7, $0xb8;
	[tilespmem:$0x1DC00] =	vst v63  }
0x2e1: {  	s31 =	sld [smem:$0x7E8]  }
0x2e2: {  	[tilespmem:s9], [sflag:$0x4] =	stream.indirect.gather [hbm4b:s3+s7], $0x80, s1, s7, $0xb8;
	[tilespmem:$0x1DC00] =	vst v63  }
0x2e3: {  	s1 =	sld [smem:$0x7E9]  }
0x2e4: {  	[tilespmem:s10], [sflag:$0x5] =	stream.indirect.gather [hbm4b:s3+s7], $0x80, s31, s7, $0xb8;
	[tilespmem:$0x1DC00] =	vst v63  }
0x2e5: {  	s31 =	sld [smem:$0x7EA]  }
0x2e6: {  	[tilespmem:s11], [sflag:$0x6] =	stream.indirect.gather [hbm4b:s3+s7], $0x80, s1, s7, $0xb8;
	[tilespmem:$0x1DC00] =	vst v63  }
0x2e7: {  	_ = 	snop  }
0x2e8: {  	[tilespmem:s12], [sflag:$0x7] =	stream.indirect.gather [hbm4b:s3+s7], $0x80, s31, s7, $0xb8;
	[tilespmem:$0x1DC00] =	vst v63  }
0x2e9: {  	_ =	swait.ge [sflag:s13], $0x4000  }
0x2ea: {  	[sflag:s13] =	ssyncset.done $0x0  }
0x2eb: {  	[sflag:s13] =	ssyncadd.s32 $0xFFFFC000  }
0x2ec: {  	_ =	swait.ge [sflag:s21], $0x4000  }
0x2ed: {  	[sflag:s21] =	ssyncset.done $0x0  }
0x2ee: {  	[sflag:s21] =	ssyncadd.s32 $0xFFFFC000  }
0x2ef: {  	_ =	swait.ge [sflag:s22], $0x4000  }
0x2f0: {  	[sflag:s22] =	ssyncset.done $0x0  }
0x2f1: {  	[sflag:s22] =	ssyncadd.s32 $0xFFFFC000  }
0x2f2: {  	_ =	swait.ge [sflag:s23], $0x4000  }
0x2f3: {  	[sflag:s23] =	ssyncset.done $0x0  }
0x2f4: {  	[sflag:s23] =	ssyncadd.s32 $0xFFFFC000  }
0x2f5: {  	_ =	swait.ge [sflag:s24], $0x4000  }
0x2f6: {  	[sflag:s24] =	ssyncset.done $0x0  }
0x2f7: {  	[sflag:s24] =	ssyncadd.s32 $0xFFFFC000  }
0x2f8: {  	_ =	swait.ge [sflag:s25], $0x4000  }
0x2f9: {  	[sflag:s25] =	ssyncset.done $0x0  }
0x2fa: {  	[sflag:s25] =	ssyncadd.s32 $0xFFFFC000  }
0x2fb: {  	_ =	swait.ge [sflag:s26], $0x4000  }
0x2fc: {  	s31 =	sld [smem:$0x7EB]  }
0x2fd: {  	[sflag:s26] =	ssyncset.done $0x0  }
0x2fe: {  	s1 =	sld [smem:$0x7EC];
	[sflag:s26] =	ssyncadd.s32 $0xFFFFC000  }
0x2ff: {  	[tilespmem:s5], [sflag:$0x1] =	stream.indirect.gather [hbm4b:s3+s7], $0x80, s31, s7, $0xb8;
	[tilespmem:$0x1DC00] =	vst v63  }
0x300: {  	s31 =	sld [smem:$0x7ED]  }
0x301: {  	[tilespmem:s6], [sflag:$0x2] =	stream.indirect.gather [hbm4b:s3+s7], $0x80, s1, s7, $0xb8;
	[tilespmem:$0x1DC00] =	vst v63  }
0x302: {  	s1 =	sld [smem:$0x7EE]  }
0x303: {  	[tilespmem:s8], [sflag:$0x3] =	stream.indirect.gather [hbm4b:s3+s7], $0x80, s31, s7, $0xb8;
	[tilespmem:$0x1DC00] =	vst v63  }
0x304: {  	s31 =	sld [smem:$0x7EF]  }
0x305: {  	[tilespmem:s9], [sflag:$0x4] =	stream.indirect.gather [hbm4b:s3+s7], $0x80, s1, s7, $0xb8;
	[tilespmem:$0x1DC00] =	vst v63  }
0x306: {  	s1 =	sld [smem:$0x7F0]  }
0x307: {  	[tilespmem:s10], [sflag:$0x5] =	stream.indirect.gather [hbm4b:s3+s7], $0x80, s31, s7, $0xb8;
	[tilespmem:$0x1DC00] =	vst v63  }
0x308: {  	s31 =	sld [smem:$0x7F1]  }
0x309: {  	[tilespmem:s11], [sflag:$0x6] =	stream.indirect.gather [hbm4b:s3+s7], $0x80, s1, s7, $0xb8;
	[tilespmem:$0x1DC00] =	vst v63  }
0x30a: {  	_ = 	snop  }
0x30b: {  	[tilespmem:s12], [sflag:$0x7] =	stream.indirect.gather [hbm4b:s3+s7], $0x80, s31, s7, $0xb8;
	[tilespmem:$0x1DC00] =	vst v63  }
0x30c: {  	_ =	swait.ge [sflag:s13], $0x4000  }
0x30d: {  	[sflag:s13] =	ssyncset.done $0x0  }
0x30e: {  	[sflag:s13] =	ssyncadd.s32 $0xFFFFC000  }
0x30f: {  	_ =	swait.ge [sflag:s21], $0x4000  }
0x310: {  	[sflag:s21] =	ssyncset.done $0x0  }
0x311: {  	[sflag:s21] =	ssyncadd.s32 $0xFFFFC000  }
0x312: {  	_ =	swait.ge [sflag:s22], $0x4000  }
0x313: {  	[sflag:s22] =	ssyncset.done $0x0  }
0x314: {  	[sflag:s22] =	ssyncadd.s32 $0xFFFFC000  }
0x315: {  	_ =	swait.ge [sflag:s23], $0x4000  }
0x316: {  	[sflag:s23] =	ssyncset.done $0x0  }
0x317: {  	[sflag:s23] =	ssyncadd.s32 $0xFFFFC000  }
0x318: {  	_ =	swait.ge [sflag:s24], $0x4000  }
0x319: {  	[sflag:s24] =	ssyncset.done $0x0  }
0x31a: {  	[sflag:s24] =	ssyncadd.s32 $0xFFFFC000  }
0x31b: {  	_ =	swait.ge [sflag:s25], $0x4000  }
0x31c: {  	[sflag:s25] =	ssyncset.done $0x0  }
0x31d: {  	[sflag:s25] =	ssyncadd.s32 $0xFFFFC000  }
0x31e: {  	_ =	swait.ge [sflag:s26], $0x4000  }
0x31f: {  	s31 =	sld [smem:$0x7F2]  }
0x320: {  	[sflag:s26] =	ssyncset.done $0x0  }
0x321: {  	s1 =	sld [smem:$0x7F3];
	[sflag:s26] =	ssyncadd.s32 $0xFFFFC000  }
0x322: {  	[tilespmem:s5], [sflag:$0x1] =	stream.indirect.gather [hbm4b:s3+s7], $0x80, s31, s7, $0xb8;
	[tilespmem:$0x1DC00] =	vst v63  }
0x323: {  	s31 =	sld [smem:$0x7F4]  }
0x324: {  	[tilespmem:s6], [sflag:$0x2] =	stream.indirect.gather [hbm4b:s3+s7], $0x80, s1, s7, $0xb8;
	[tilespmem:$0x1DC00] =	vst v63  }
0x325: {  	s1 =	sld [smem:$0x7F5]  }
0x326: {  	[tilespmem:s8], [sflag:$0x3] =	stream.indirect.gather [hbm4b:s3+s7], $0x80, s31, s7, $0xb8;
	[tilespmem:$0x1DC00] =	vst v63  }
0x327: {  	s31 =	sld [smem:$0x7F6]  }
0x328: {  	[tilespmem:s9], [sflag:$0x4] =	stream.indirect.gather [hbm4b:s3+s7], $0x80, s1, s7, $0xb8;
	[tilespmem:$0x1DC00] =	vst v63  }
0x329: {  	s1 =	sld [smem:$0x7F7]  }
0x32a: {  	[tilespmem:s10], [sflag:$0x5] =	stream.indirect.gather [hbm4b:s3+s7], $0x80, s31, s7, $0xb8;
	[tilespmem:$0x1DC00] =	vst v63  }
0x32b: {  	s31 =	sld [smem:$0x7F8]  }
0x32c: {  	[tilespmem:s11], [sflag:$0x6] =	stream.indirect.gather [hbm4b:s3+s7], $0x80, s1, s7, $0xb8;
	[tilespmem:$0x1DC00] =	vst v63  }
0x32d: {  	_ = 	snop  }
0x32e: {  	[tilespmem:s12], [sflag:$0x7] =	stream.indirect.gather [hbm4b:s3+s7], $0x80, s31, s7, $0xb8;
	[tilespmem:$0x1DC00] =	vst v63  }
0x32f: {  	_ =	swait.ge [sflag:s13], $0x4000  }
0x330: {  	[sflag:s13] =	ssyncset.done $0x0  }
0x331: {  	[sflag:s13] =	ssyncadd.s32 $0xFFFFC000  }
0x332: {  	_ =	swait.ge [sflag:s21], $0x4000  }
0x333: {  	[sflag:s21] =	ssyncset.done $0x0  }
0x334: {  	[sflag:s21] =	ssyncadd.s32 $0xFFFFC000  }
0x335: {  	_ =	swait.ge [sflag:s22], $0x4000  }
0x336: {  	[sflag:s22] =	ssyncset.done $0x0  }
0x337: {  	[sflag:s22] =	ssyncadd.s32 $0xFFFFC000  }
0x338: {  	_ =	swait.ge [sflag:s23], $0x4000  }
0x339: {  	[sflag:s23] =	ssyncset.done $0x0  }
0x33a: {  	[sflag:s23] =	ssyncadd.s32 $0xFFFFC000  }
0x33b: {  	_ =	swait.ge [sflag:s24], $0x4000  }
0x33c: {  	[sflag:s24] =	ssyncset.done $0x0  }
0x33d: {  	[sflag:s24] =	ssyncadd.s32 $0xFFFFC000  }
0x33e: {  	_ =	swait.ge [sflag:s25], $0x4000  }
0x33f: {  	[sflag:s25] =	ssyncset.done $0x0  }
0x340: {  	[sflag:s25] =	ssyncadd.s32 $0xFFFFC000  }
0x341: {  	_ =	swait.ge [sflag:s26], $0x4000  }
0x342: {  	s31 =	sld [smem:$0x7F9]  }
0x343: {  	[sflag:s26] =	ssyncset.done $0x0  }
0x344: {  	s1 =	sld [smem:$0x7FA];
	[sflag:s26] =	ssyncadd.s32 $0xFFFFC000  }
0x345: {  	[tilespmem:s5], [sflag:$0x1] =	stream.indirect.gather [hbm4b:s3+s7], $0x80, s31, s7, $0xb8;
	[tilespmem:$0x1DC00] =	vst v63  }
0x346: {  	s31 =	sld [smem:$0x7FB]  }
0x347: {  	[tilespmem:s6], [sflag:$0x2] =	stream.indirect.gather [hbm4b:s3+s7], $0x80, s1, s7, $0xb8;
	[tilespmem:$0x1DC00] =	vst v63  }
0x348: {  	s1 =	sld [smem:$0x7FC]  }
0x349: {  	[tilespmem:s8], [sflag:$0x3] =	stream.indirect.gather [hbm4b:s3+s7], $0x80, s31, s7, $0xb8;
	[tilespmem:$0x1DC00] =	vst v63  }
0x34a: {  	s31 =	sld [smem:$0x7FD]  }
0x34b: {  	[tilespmem:s9], [sflag:$0x4] =	stream.indirect.gather [hbm4b:s3+s7], $0x80, s1, s7, $0xb8;
	[tilespmem:$0x1DC00] =	vst v63  }
0x34c: {  	_ = 	snop  }
0x34d: {  	[tilespmem:s10], [sflag:$0x5] =	stream.indirect.gather [hbm4b:s3+s7], $0x80, s31, s7, $0xb8;
	[tilespmem:$0x1DC00] =	vst v63  }
0x34e: {  	_ = 	snop  }
0x34f: {  	[tilespmem:s11], [sflag:$0x6] =	stream.indirect.gather [hbm4b:s3+s7], $0x80, s30, s7, $0xb8;
	[tilespmem:$0x1DC00] =	vst v63  }
0x350: {  	_ = 	snop  }
0x351: {  	[tilespmem:s12], [sflag:$0x7] =	stream.indirect.gather [hbm4b:s3+s7], $0x80, s29, s7, $0xb8;
	[tilespmem:$0x1DC00] =	vst v63  }
0x352: {  	_ =	swait.ge [sflag:s13], $0x4000  }
0x353: {  	[sflag:s13] =	ssyncset.done $0x0  }
0x354: {  	[sflag:s13] =	ssyncadd.s32 $0xFFFFC000  }
0x355: {  	_ =	swait.ge [sflag:s21], $0x4000  }
0x356: {  	[sflag:s21] =	ssyncset.done $0x0  }
0x357: {  	[sflag:s21] =	ssyncadd.s32 $0xFFFFC000  }
0x358: {  	_ =	swait.ge [sflag:s22], $0x4000  }
0x359: {  	[sflag:s22] =	ssyncset.done $0x0  }
0x35a: {  	[sflag:s22] =	ssyncadd.s32 $0xFFFFC000  }
0x35b: {  	_ =	swait.ge [sflag:s23], $0x4000  }
0x35c: {  	[sflag:s23] =	ssyncset.done $0x0  }
0x35d: {  	[sflag:s23] =	ssyncadd.s32 $0xFFFFC000  }
0x35e: {  	_ =	swait.ge [sflag:s24], $0x4000  }
0x35f: {  	[sflag:s24] =	ssyncset.done $0x0  }
0x360: {  	[sflag:s24] =	ssyncadd.s32 $0xFFFFC000  }
0x361: {  	_ =	swait.ge [sflag:s25], $0x4000  }
0x362: {  	[sflag:s25] =	ssyncset.done $0x0  }
0x363: {  	[sflag:s25] =	ssyncadd.s32 $0xFFFFC000  }
0x364: {  	_ =	swait.ge [sflag:s26], $0x4000  }
0x365: {  	[sflag:s26] =	ssyncset.done $0x0  }
0x366: {  	s23 =	simm.s32 $0x1880;
	[sflag:s26] =	ssyncadd.s32 $0xFFFFC000  }
0x367: {  	[tilespmem:s5], [sflag:$0x1] =	stream.indirect.gather [hbm4b:s3+s7], $0x80, s23, s7, $0xb8;
	[tilespmem:$0x1DC00] =	vst v63  }
0x368: {  	_ =	swait.ge [sflag:s13], $0x4000  }
0x369: {  	[sflag:s13] =	ssyncset.done $0x0  }
0x36a: {  	[sflag:s13] =	ssyncadd.s32 $0xFFFFC000  }
0x36b: {  	[hbm4b:s4+s2] =	stream.linear.scatter [tilespmem:s5], [sflag:$0x8], $0x4000, $0x38;
	[tilespmem:$0x1DC00] =	vst v63  }
0x36c: {  	s24 =	rddreg [dreg:$0x5]  }
0x36d: {  	[hbm4b:s24+s2] =	stream.linear.scatter [tilespmem:s6], [sflag:$0x9], $0x4000, $0x38;
	[tilespmem:$0x1DC00] =	vst v63  }
0x36e: {  	s25 =	rddreg [dreg:$0x6]  }
0x36f: {  	[hbm4b:s25+s2] =	stream.linear.scatter [tilespmem:s8], [sflag:$0xA], $0x4000, $0x38;
	[tilespmem:$0x1DC00] =	vst v63  }
0x370: {  	s26 =	rddreg [dreg:$0x7]  }
0x371: {  	[hbm4b:s26+s2] =	stream.linear.scatter [tilespmem:s9], [sflag:$0xB], $0x4000, $0x38;
	[tilespmem:$0x1DC00] =	vst v63  }
0x372: {  	s29 =	rddreg [dreg:$0x8]  }
0x373: {  	[hbm4b:s29+s2] =	stream.linear.scatter [tilespmem:s10], [sflag:$0xC], $0x4000, $0x38;
	[tilespmem:$0x1DC00] =	vst v63  }
0x374: {  	s30 =	rddreg [dreg:$0x9]  }
0x375: {  	[hbm4b:s30+s2] =	stream.linear.scatter [tilespmem:s11], [sflag:$0xD], $0x4000, $0x38;
	[tilespmem:$0x1DC00] =	vst v63  }
0x376: {  	s31 =	rddreg [dreg:$0xa]  }
0x377: {  	[hbm4b:s31+s2] =	stream.linear.scatter [tilespmem:s12], [sflag:$0xE], $0x4000, $0x38;
	[tilespmem:$0x1DC00] =	vst v63  }
0x378: {  	_ =	swait.ge [sflag:s19], $0x4000  }
0x379: {  	[sflag:s19] =	ssyncset.done $0x0  }
0x37a: {  	[sflag:s19] =	ssyncadd.s32 $0xFFFFC000  }
0x37b: {  	_ =	swait.ge [sflag:s20], $0x4000  }
0x37c: {  	[sflag:s20] =	ssyncset.done $0x0  }
0x37d: {  	[sflag:s20] =	ssyncadd.s32 $0xFFFFC000  }
0x37e: {  	_ =	swait.ge [sflag:s18], $0x4000  }
0x37f: {  	[sflag:s18] =	ssyncset.done $0x0  }
0x380: {  	[sflag:s18] =	ssyncadd.s32 $0xFFFFC000  }
0x381: {  	_ =	swait.ge [sflag:s17], $0x4000  }
0x382: {  	[sflag:s17] =	ssyncset.done $0x0  }
0x383: {  	[sflag:s17] =	ssyncadd.s32 $0xFFFFC000  }
0x384: {  	_ =	swait.ge [sflag:s16], $0x4000  }
0x385: {  	[sflag:s16] =	ssyncset.done $0x0  }
0x386: {  	[sflag:s16] =	ssyncadd.s32 $0xFFFFC000  }
0x387: {  	_ =	swait.ge [sflag:s15], $0x4000  }
0x388: {  	[sflag:s15] =	ssyncset.done $0x0  }
0x389: {  	[sflag:s15] =	ssyncadd.s32 $0xFFFFC000  }
0x38a: {  	_ =	swait.ge [sflag:s14], $0x4000  }
0x38b: {  	[sflag:s14] =	ssyncset.done $0x0  }
0x38c: {  	[sflag:s14] =	ssyncadd.s32 $0xFFFFC000  }
0x38d: {  	_ =	sfence.sel $0x180000  }
0x38e: {  	[bflag:$0x0] =	sbarrier.arrive $0xFFFF  }
0x38f: {  	_ =	strace $0x90000047  }
0x390: {  	[bflag:$0x2] =	sbarrier.arrive $0xFFFF  }
0x391: {  	p0 =	sne.s32 s28, $0x0;
	s0 =	rddreg [dreg:$0x3]  }
0x392: {  	s0 =	sadd.s32 @!p0 $0x100000, s0  }
0x393: {  	[sflag:s0] =	ssyncadd.tile.s32 @!p0 $0x1;
	_ =	shalt  }
.LBB2_1:
.Ltmp3:
0x394: {  	(pc) =	sbr.rel .LBB2_6-.Ltmp3, $2  }
0x395: {  	_ =	sdelay $0x2  }
0x396: {  	s29 =	simm.s32 $0x1800;
	s30 =	simm.s32 $0x1780  }
.LBB2_3:
.Ltmp4:
0x397: {  	(pc) =	sbr.rel .LBB2_6-.Ltmp4, $2  }
0x398: {  	_ =	sdelay $0x2  }
0x399: {  	s29 =	simm.s32 $0x1800;
	s30 =	simm.s32 $0x1780;
	s28 =	stileid.u32  }
.Lfunc_end2:
_tile_overlayer_lowered:
.L_overlay_start_2:
0x39a: {  	(tag) =	ssettag $0x2  }
0x39b: {  	s0 =	rddreg [dreg:$0x0];
	s2 =	stileid.u32  }
0x39c: {  	s1 =	rddreg [dreg:$0x1];
	p0 =	sne.s32 s2, $0x0  }
0x39d: {  	s3 =	rddreg [dreg:$0x2];
	[bflag:$0x3] =	sbarrier.arrive $0xFFFF;
	s2 =	simm.s32 @!p0 $0x1C0F  }
0x39e: {  	[timem:s3], [sflag:s2] =	dma.local @!p0 [hbm:s0], s1  }
0x39f: {  	s0 =	simm.s32 @!p0 $0xF  }
0x3a0: {  	_ =	swait.ge @!p0 [sflag:s0], s1  }
0x3a1: {  	s1 =	ssub.s32 @!p0 $0x0, s1;
	[sflag:s0] =	ssyncset.done @!p0 $0x0  }
0x3a2: {  	[sflag:s0] =	ssyncadd.s32 @!p0 s1  }
0x3a3: {  	[bflag:$0x3] =	sbarrier.arrive $0xFFFF  }
0x3a4: {  	_ =	shalt  }

</sc_bundles>
